<compile_context>
chip_gen: v7x
topology: tpu7x:2x2x1
jax: 0.10.2.dev20260603
libtpu: 0.0.44.dev20260713+nightly
codegen_flags: <defaults>
</compile_context>

<pallas_src>
import functools

import jax
import jax.numpy as jnp
from jax import lax
from jax.experimental import pallas as pl
from jax.experimental.pallas import tpu as pltpu
from jax.experimental.pallas import tpu_sc as plsc

N = 7
R = 16
E = 640000
HID = 16
OUT = 8
RS = R * N
BP = 128
BROWS = 8
BINSP = BROWS * BP
L = 16
NW = 32
TILE = 512
NTILES = E // TILE
TPW = NTILES // NW
TCH = 13
CW = TCH * TILE
NCH = TPW // TCH


def _sc_hist_kernel(ei_hbm, typ_hbm, out_hbm,
                    ebuf, tbuf, hist_v, final_v,
                    sem0, sem1):
    wid = lax.axis_index("s") * 2 + lax.axis_index("c")
    base = TPW * TILE * wid
    sems = (sem0, sem1)

    def start(c, parity):
        off = base + c * CW
        half = parity * CW
        sem = sems[parity]
        pltpu.async_copy(ei_hbm.at[:, pl.ds(off, CW)],
                         ebuf.at[:, pl.ds(half, CW)], sem)
        pltpu.async_copy(typ_hbm.at[pl.ds(off, CW)],
                         tbuf.at[pl.ds(half, CW)], sem)

    def drain(parity):
        pltpu.make_async_copy(ei_hbm.at[:, pl.ds(0, CW)],
                              ebuf.at[:, pl.ds(0, CW)], sems[parity]).wait()
        pltpu.make_async_copy(typ_hbm.at[pl.ds(0, CW)],
                              tbuf.at[pl.ds(0, CW)], sems[parity]).wait()

    start(0, 0)

    zeros = jnp.zeros((L,), jnp.float32)

    @plsc.parallel_loop(0, BINSP, unroll=8)
    def _(i):
        hist_v[pl.ds(i * L, L)] = zeros

    lane_off = lax.broadcasted_iota(jnp.int32, (L,), 0) * BINSP
    ones = jnp.ones((L,), jnp.float32)

    def process(half, nvec):
        @plsc.parallel_loop(0, nvec, unroll=8)
        def _(i):
            o = half + i * L
            s = ebuf[0, pl.ds(o, L)]
            d = ebuf[1, pl.ds(o, L)]
            t = tbuf[pl.ds(o, L)]
            plsc.addupdate_scatter(
                hist_v, [(d * BP + t * BROWS) + (s + lane_off)], ones)

    def chunk_body(c, carry):
        par = c & 1

        @pl.when(par == 0)
        def _():
            drain(0)

        @pl.when(par == 1)
        def _():
            drain(1)

        @pl.when((c + 1 < NCH) & (par == 0))
        def _():
            start(c + 1, 1)

        @pl.when((c + 1 < NCH) & (par == 1))
        def _():
            start(c + 1, 0)

        process(par * CW, CW // L)
        return carry

    lax.fori_loop(0, NCH, chunk_body, 0)

    @pl.when(wid < 2)
    def _():
        off = (NW * TPW + wid) * TILE
        cpe = pltpu.async_copy(ei_hbm.at[:, pl.ds(off, TILE)],
                               ebuf.at[:, pl.ds(0, TILE)], sem0)
        cpt = pltpu.async_copy(typ_hbm.at[pl.ds(off, TILE)],
                               tbuf.at[pl.ds(0, TILE)], sem0)
        cpe.wait()
        cpt.wait()

        @plsc.parallel_loop(0, TILE // L, unroll=2)
        def _(i):
            o = i * L
            s = ebuf[0, pl.ds(o, L)]
            d = ebuf[1, pl.ds(o, L)]
            t = tbuf[pl.ds(o, L)]
            plsc.addupdate_scatter(
                hist_v, [(d * BP + t * BROWS) + (s + lane_off)], ones)

    for r in range(BROWS):
        @plsc.parallel_loop(0, BP // L)
        def _(i, r=r):
            o = r * BP + i * L
            acc = hist_v[pl.ds(o, L)]
            for l in range(1, L):
                acc = acc + hist_v[pl.ds(l * BINSP + o, L)]
            final_v[r, pl.ds(i * L, L)] = acc

    pltpu.sync_copy(final_v, out_hbm.at[wid])


def _make_sc_hist():
    return pl.kernel(
        _sc_hist_kernel,
        mesh=plsc.VectorSubcoreMesh(core_axis_name="c", subcore_axis_name="s",
                                    num_cores=1),
        out_type=jax.ShapeDtypeStruct((NW, BROWS, BP), jnp.float32),
        compiler_params=pltpu.CompilerParams(needs_layout_passes=False),
        scratch_types=[
            pltpu.VMEM((2, 2 * CW), jnp.int32),
            pltpu.VMEM((2 * CW,), jnp.int32),
            pltpu.VMEM((L * BINSP,), jnp.float32),
            pltpu.VMEM((BROWS, BP), jnp.float32),
            pltpu.SemaphoreType.DMA,
            pltpu.SemaphoreType.DMA,
        ],
    )


def _tc_finish_body(parts_ref, w1_ref, r1_ref, b1_ref, w2_ref, rt2_ref,
                    b2_ref, out_ref):
    counts = jnp.sum(parts_ref[...], axis=0)
    g = (lax.broadcasted_iota(jnp.int32, (BP, R), 0) // BROWS
         == lax.broadcasted_iota(jnp.int32, (BP, R), 1)).astype(jnp.float32)
    gt = (lax.broadcasted_iota(jnp.int32, (R, BP), 1) // BROWS
          == lax.broadcasted_iota(jnp.int32, (R, BP), 0)).astype(jnp.float32)
    cnt = jnp.dot(counts, g, preferred_element_type=jnp.float32)
    denom = jnp.maximum(
        jnp.dot(cnt, gt, preferred_element_type=jnp.float32), 1.0)
    q = (counts / denom)[0:N]
    w1 = jnp.concatenate(
        [w1_ref[...], jnp.zeros((R, 1, HID), jnp.float32)], axis=1
    ).reshape(BP, HID)
    agg1 = jnp.dot(q, w1, preferred_element_type=jnp.float32)
    h = jnp.maximum(agg1 + r1_ref[...] + b1_ref[...].reshape(1, HID), 0.0)
    hp = jnp.concatenate([h, jnp.zeros((1, HID), jnp.float32)], axis=0)
    w2h = jnp.concatenate(
        [jnp.dot(hp, w2_ref[r], preferred_element_type=jnp.float32)
         for r in range(R)], axis=0)
    acc = (jnp.dot(q, w2h, preferred_element_type=jnp.float32)
           + jnp.dot(h, rt2_ref[...], preferred_element_type=jnp.float32)
           + b2_ref[...].reshape(1, OUT))
    m = jnp.max(acc, axis=1, keepdims=True)
    e = jnp.exp(acc - m)
    lse = jnp.log(jnp.sum(e, axis=1, keepdims=True))
    out_ref[...] = acc - m - lse


def kernel(x, edge_index, edge_type, weight1, root1, bias1, weight2, root2,
           bias2):
    del x
    parts = _make_sc_hist()(edge_index, edge_type)
    return pl.pallas_call(
        _tc_finish_body,
        out_shape=jax.ShapeDtypeStruct((N, OUT), jnp.float32),
    )(parts, weight1, root1, bias1, weight2, root2, bias2)

# --- scband reference (transcript-rebuilt; emitter-appended) ---
"""Pipeline reference for scband-rgcn-62801011802251 (READ-ONLY COPY).

The authoritative reference and input builder live on the scoring server;
editing this copy changes nothing except your own understanding.
"""

import jax, jax.numpy as jnp
import numpy as np

NUM_NODES = 7
NUM_REL = 16
E = 640000
HID = 16
OUT = 8


def setup_inputs(seed: int = 0):
    key = jax.random.key(seed)
    ks = jax.random.split(key, 9)
    x = jax.random.normal(ks[0], (NUM_NODES, NUM_NODES), dtype=jnp.float32)
    edge_index = jax.random.randint(ks[1], (2, E), 0, NUM_NODES, dtype=jnp.int32)
    edge_type = jax.random.randint(ks[2], (E,), 0, NUM_REL, dtype=jnp.int32)
    weight1 = jax.random.normal(ks[3], (NUM_REL, NUM_NODES, HID), dtype=jnp.float32) * 0.1
    root1 = jax.random.normal(ks[4], (NUM_NODES, HID), dtype=jnp.float32) * 0.1
    bias1 = jnp.zeros((HID,), dtype=jnp.float32)
    weight2 = jax.random.normal(ks[5], (NUM_REL, HID, OUT), dtype=jnp.float32) * 0.1
    root2 = jax.random.normal(ks[6], (HID, OUT), dtype=jnp.float32) * 0.1
    bias2 = jnp.zeros((OUT,), dtype=jnp.float32)
    return {"x": x, "edge_index": edge_index, "edge_type": edge_type,
            "weight1": weight1, "root1": root1, "bias1": bias1,
            "weight2": weight2, "root2": root2, "bias2": bias2}


def _edge_norm(edge_type, dst):
    # FastRGCNConv 'mean' aggregation: normalize by count of edges per (dst node, relation)
    onehot = jax.nn.one_hot(edge_type, NUM_REL, dtype=jnp.float32)
    cnt = jax.ops.segment_sum(onehot, dst, num_segments=NUM_NODES)  # [N, R]
    c = cnt[dst, edge_type]  # [E]
    return 1.0 / jnp.maximum(c, 1.0)


def reference(x, edge_index, edge_type, weight1, root1, bias1, weight2, root2, bias2):
    # NOTE: original forward ignores its x argument (conv1 is called with x=None),
    # so layer 1 treats node indices as lookups into weight1 / root1.
    src = edge_index[0]
    dst = edge_index[1]
    norm = _edge_norm(edge_type, dst)  # [E]
    # ---- layer 1 (x is None): message = weight1.view(-1, HID)[edge_type * in_channels + x_j]
    msg1 = weight1.reshape(-1, HID)[edge_type * NUM_NODES + src]  # [E, HID]
    agg1 = jax.ops.segment_sum(msg1 * norm[:, None], dst, num_segments=NUM_NODES)  # [N, HID]
    h = agg1 + root1 + bias1  # root[x_r] with x_r = arange(N) -> root1 itself
    h = jax.nn.relu(h)
    # ---- layer 2 (dense features): message = x_j @ weight2[edge_type]
    msg2 = jnp.einsum('ec,eco->eo', h[src], weight2[edge_type])  # [E, OUT]
    agg2 = jax.ops.segment_sum(msg2 * norm[:, None], dst, num_segments=NUM_NODES)  # [N, OUT]
    out = agg2 + h @ root2 + bias2
    return jax.nn.log_softmax(out, axis=1)

if __name__ == "__main__":
    import jax
    _d = setup_inputs()
    print(jax.jit(kernel)(*tuple(_d.values())))

</pallas_src>

<mosaic_0001>
#map = affine_map<(d0, d1) -> (0, 0)>
#map1 = affine_map<(d0, d1) -> (0)>
#map2 = affine_map<(d0, d1) -> (0, 0, 0)>
module attributes {stable_mosaic.version = 14 : i64} {
  func.func @_sc_hist_kernel(%arg0: i32, %arg1: i32, %arg2: memref<2x640000xi32, #tpu.memory_space<hbm>>, %arg3: memref<640000xi32, #tpu.memory_space<hbm>>, %arg4: memref<32x8x128xf32, #tpu.memory_space<hbm>>, %arg5: memref<2x13312xi32, #tpu.memory_space<vmem>>, %arg6: memref<13312xi32, #tpu.memory_space<vmem>>, %arg7: memref<16384xf32, #tpu.memory_space<vmem>>, %arg8: memref<8x128xf32, #tpu.memory_space<vmem>>, %arg9: memref<!tpu.dma_semaphore, #tpu.memory_space<semaphore_mem>>, %arg10: memref<!tpu.dma_semaphore, #tpu.memory_space<semaphore_mem>>) attributes {dimension_semantics = [#tpu.dimension_semantics<core_parallel>, #tpu.dimension_semantics<subcore_parallel>], iteration_bounds = array<i64: 1, 16>, scalar_prefetch = 0 : i64, scratch_operands = 6 : i64, tpu.core_type = #tpu.core_type<sc_vector_subcore>, window_params = [{transform_indices = #map}, {transform_indices = #map1}, {transform_indices = #map2}]} {
    %mul3A = arith.constant 2 : i32
    %mul3A_0 = arith.muli %arg1, %mul3A : i32
    %add3A = arith.addi %mul3A_0, %arg0 : i32
    %mul3A_1 = arith.constant 19968 : i32
    %mul3A_2 = arith.muli %mul3A_1, %add3A : i32
    %add3A_3 = arith.constant 0 : i32
    %add3A_4 = arith.addi %mul3A_2, %add3A_3 : i32
    %dma_start3A = arith.constant 0 : i32
    %dma_start3A_5 = arith.constant 0 : i32
    %dma_start3A_6 = tpu.memref_slice %arg5[%dma_start3A, %dma_start3A_5] : memref<2x13312xi32, #tpu.memory_space<vmem>> -> memref<2x6656xi32, #tpu.memory_space<vmem>>
    %dma_start3A_7 = arith.constant 0 : i32
    %dma_start3A_8 = tpu.memref_slice %arg2[%dma_start3A_7, %add3A_4] : memref<2x640000xi32, #tpu.memory_space<hbm>> -> memref<2x6656xi32, #tpu.memory_space<hbm>>
    %dma_start3A_9 = arith.constant 0 : i32
    %dma_start3A_10 = arith.constant 0 : i32
    %dma_start3A_11 = tpu.memref_slice %arg5[%dma_start3A_9, %dma_start3A_10] : memref<2x13312xi32, #tpu.memory_space<vmem>> -> memref<2x6656xi32, #tpu.memory_space<vmem>>
    %dma_start3A_12 = arith.constant 0 : i32
    %dma_start3A_13 = tpu.memref_slice %arg2[%dma_start3A_12, %add3A_4] : memref<2x640000xi32, #tpu.memory_space<hbm>> -> memref<2x6656xi32, #tpu.memory_space<hbm>>
    tpu.enqueue_dma source(%dma_start3A_13 : memref<2x6656xi32, #tpu.memory_space<hbm>>) target(%dma_start3A_11 : memref<2x6656xi32, #tpu.memory_space<vmem>>) target_semaphore(%arg9 : memref<!tpu.dma_semaphore, #tpu.memory_space<semaphore_mem>>)
    %dma_start3A_14 = arith.constant 0 : i32
    %dma_start3A_15 = tpu.memref_slice %arg6[%dma_start3A_14] : memref<13312xi32, #tpu.memory_space<vmem>> -> memref<6656xi32, #tpu.memory_space<vmem>>
    %dma_start3A_16 = tpu.memref_slice %arg3[%add3A_4] : memref<640000xi32, #tpu.memory_space<hbm>> -> memref<6656xi32, #tpu.memory_space<hbm>>
    %dma_start3A_17 = arith.constant 0 : i32
    %dma_start3A_18 = tpu.memref_slice %arg6[%dma_start3A_17] : memref<13312xi32, #tpu.memory_space<vmem>> -> memref<6656xi32, #tpu.memory_space<vmem>>
    %dma_start3A_19 = tpu.memref_slice %arg3[%add3A_4] : memref<640000xi32, #tpu.memory_space<hbm>> -> memref<6656xi32, #tpu.memory_space<hbm>>
    tpu.enqueue_dma source(%dma_start3A_19 : memref<6656xi32, #tpu.memory_space<hbm>>) target(%dma_start3A_18 : memref<6656xi32, #tpu.memory_space<vmem>>) target_semaphore(%arg9 : memref<!tpu.dma_semaphore, #tpu.memory_space<semaphore_mem>>)
    %broadcast_in_dim3A = arith.constant 0.000000e+00 : f32
    %broadcast_in_dim3A_20 = vector.broadcast %broadcast_in_dim3A : f32 to vector<16xf32>
    %parallel_loop3A = arith.constant 0 : i32
    %parallel_loop3A_21 = arith.constant 1024 : i32
    %parallel_loop3A_22 = arith.constant 1 : i32
    scf.for %parallel_loop3A_59 = %parallel_loop3A to %parallel_loop3A_21 step %parallel_loop3A_22  : i32 {
      %parallel_loop3A_60 = arith.constant 16 : i32
      %parallel_loop3A_61 = arith.muli %parallel_loop3A_59, %parallel_loop3A_60 : i32
      %parallel_loop3A_62 = arith.index_cast %parallel_loop3A_61 : i32 to index
      %parallel_loop3A_63 = tpu.vector_load %arg7[%parallel_loop3A_62] {strides = array<i32>} : memref<16384xf32, #tpu.memory_space<vmem>>, vector<16xf32>,
      tpu.vector_store %arg7[%parallel_loop3A_62], %broadcast_in_dim3A_20 {strides = array<i32>} : memref<16384xf32, #tpu.memory_space<vmem>>, vector<16xf32>,
    } {sc.loop_unroll_factor = 8 : i64, sc.parallel_access}
    %iota3A = tpu.iota {dimensions = array<i32: 0>} : vector<16xi32>
    %mul3A_23 = arith.constant 1024 : i32
    %mul3A_24 = vector.broadcast %mul3A_23 : i32 to vector<16xi32>
    %mul3A_25 = arith.muli %iota3A, %mul3A_24 : vector<16xi32>
    %broadcast_in_dim3A_26 = arith.constant 1.000000e+00 : f32
    %broadcast_in_dim3A_27 = vector.broadcast %broadcast_in_dim3A_26 : f32 to vector<16xf32>
    %scan3A = arith.constant 0 : i32
    %scan3A_28 = arith.constant 0 : i32
    %scan3A_29 = arith.constant 3 : i32
    %scan3A_30 = arith.addi %scan3A_28, %scan3A_29 : i32
    %scan3A_31 = arith.constant 1 : i32
    scf.for %scan3A_59 = %scan3A_28 to %scan3A_30 step %scan3A_31  : i32 {
      %and3A = arith.constant 1 : i32
      %and3A_60 = arith.andi %scan3A_59, %and3A : i32
      %eq3A = arith.constant 0 : i32
      %eq3A_61 = arith.cmpi eq, %and3A_60, %eq3A : i32
      %convert_element_type3A_62 = arith.extui %eq3A_61 : i1 to i32
      %cond3A_63 = arith.constant 0 : i32
      %cond3A_64 = arith.cmpi ne, %convert_element_type3A_62, %cond3A_63 : i32
      scf.if %cond3A_64 {
        %dma_wait3A = arith.constant 0 : i32
        %dma_wait3A_95 = arith.constant 0 : i32
        %dma_wait3A_96 = tpu.memref_slice %arg5[%dma_wait3A, %dma_wait3A_95] : memref<2x13312xi32, #tpu.memory_space<vmem>> -> memref<2x6656xi32, #tpu.memory_space<vmem>>
        %dma_wait3A_97 = arith.constant 0 : i32
        %dma_wait3A_98 = arith.constant 0 : i32
        %dma_wait3A_99 = tpu.memref_slice %arg2[%dma_wait3A_97, %dma_wait3A_98] : memref<2x640000xi32, #tpu.memory_space<hbm>> -> memref<2x6656xi32, #tpu.memory_space<hbm>>
        %dma_wait3A_100 = arith.constant 0 : i32
        %dma_wait3A_101 = arith.constant 0 : i32
        %dma_wait3A_102 = tpu.memref_slice %arg5[%dma_wait3A_100, %dma_wait3A_101] : memref<2x13312xi32, #tpu.memory_space<vmem>> -> memref<2x6656xi32, #tpu.memory_space<vmem>>
        %dma_wait3A_103 = arith.constant 0 : i32
        %dma_wait3A_104 = arith.constant 0 : i32
        %dma_wait3A_105 = tpu.memref_slice %arg2[%dma_wait3A_103, %dma_wait3A_104] : memref<2x640000xi32, #tpu.memory_space<hbm>> -> memref<2x6656xi32, #tpu.memory_space<hbm>>
        tpu.wait_dma2 semaphore(%arg9 : memref<!tpu.dma_semaphore, #tpu.memory_space<semaphore_mem>>) src(%dma_wait3A_105 : memref<2x6656xi32, #tpu.memory_space<hbm>>) dst(%dma_wait3A_102 : memref<2x6656xi32, #tpu.memory_space<vmem>>)
        %dma_wait3A_106 = arith.constant 0 : i32
        %dma_wait3A_107 = tpu.memref_slice %arg6[%dma_wait3A_106] : memref<13312xi32, #tpu.memory_space<vmem>> -> memref<6656xi32, #tpu.memory_space<vmem>>
        %dma_wait3A_108 = arith.constant 0 : i32
        %dma_wait3A_109 = tpu.memref_slice %arg3[%dma_wait3A_108] : memref<640000xi32, #tpu.memory_space<hbm>> -> memref<6656xi32, #tpu.memory_space<hbm>>
        %dma_wait3A_110 = arith.constant 0 : i32
        %dma_wait3A_111 = tpu.memref_slice %arg6[%dma_wait3A_110] : memref<13312xi32, #tpu.memory_space<vmem>> -> memref<6656xi32, #tpu.memory_space<vmem>>
        %dma_wait3A_112 = arith.constant 0 : i32
        %dma_wait3A_113 = tpu.memref_slice %arg3[%dma_wait3A_112] : memref<640000xi32, #tpu.memory_space<hbm>> -> memref<6656xi32, #tpu.memory_space<hbm>>
        tpu.wait_dma2 semaphore(%arg9 : memref<!tpu.dma_semaphore, #tpu.memory_space<semaphore_mem>>) src(%dma_wait3A_113 : memref<6656xi32, #tpu.memory_space<hbm>>) dst(%dma_wait3A_111 : memref<6656xi32, #tpu.memory_space<vmem>>)
      } else {
      }
      %eq3A_65 = arith.constant 1 : i32
      %eq3A_66 = arith.cmpi eq, %and3A_60, %eq3A_65 : i32
      %convert_element_type3A_67 = arith.extui %eq3A_66 : i1 to i32
      %cond3A_68 = arith.constant 0 : i32
      %cond3A_69 = arith.cmpi ne, %convert_element_type3A_67, %cond3A_68 : i32
      scf.if %cond3A_69 {
        %dma_wait3A = arith.constant 0 : i32
        %dma_wait3A_95 = arith.constant 0 : i32
        %dma_wait3A_96 = tpu.memref_slice %arg5[%dma_wait3A, %dma_wait3A_95] : memref<2x13312xi32, #tpu.memory_space<vmem>> -> memref<2x6656xi32, #tpu.memory_space<vmem>>
        %dma_wait3A_97 = arith.constant 0 : i32
        %dma_wait3A_98 = arith.constant 0 : i32
        %dma_wait3A_99 = tpu.memref_slice %arg2[%dma_wait3A_97, %dma_wait3A_98] : memref<2x640000xi32, #tpu.memory_space<hbm>> -> memref<2x6656xi32, #tpu.memory_space<hbm>>
        %dma_wait3A_100 = arith.constant 0 : i32
        %dma_wait3A_101 = arith.constant 0 : i32
        %dma_wait3A_102 = tpu.memref_slice %arg5[%dma_wait3A_100, %dma_wait3A_101] : memref<2x13312xi32, #tpu.memory_space<vmem>> -> memref<2x6656xi32, #tpu.memory_space<vmem>>
        %dma_wait3A_103 = arith.constant 0 : i32
        %dma_wait3A_104 = arith.constant 0 : i32
        %dma_wait3A_105 = tpu.memref_slice %arg2[%dma_wait3A_103, %dma_wait3A_104] : memref<2x640000xi32, #tpu.memory_space<hbm>> -> memref<2x6656xi32, #tpu.memory_space<hbm>>
        tpu.wait_dma2 semaphore(%arg10 : memref<!tpu.dma_semaphore, #tpu.memory_space<semaphore_mem>>) src(%dma_wait3A_105 : memref<2x6656xi32, #tpu.memory_space<hbm>>) dst(%dma_wait3A_102 : memref<2x6656xi32, #tpu.memory_space<vmem>>)
        %dma_wait3A_106 = arith.constant 0 : i32
        %dma_wait3A_107 = tpu.memref_slice %arg6[%dma_wait3A_106] : memref<13312xi32, #tpu.memory_space<vmem>> -> memref<6656xi32, #tpu.memory_space<vmem>>
        %dma_wait3A_108 = arith.constant 0 : i32
        %dma_wait3A_109 = tpu.memref_slice %arg3[%dma_wait3A_108] : memref<640000xi32, #tpu.memory_space<hbm>> -> memref<6656xi32, #tpu.memory_space<hbm>>
        %dma_wait3A_110 = arith.constant 0 : i32
        %dma_wait3A_111 = tpu.memref_slice %arg6[%dma_wait3A_110] : memref<13312xi32, #tpu.memory_space<vmem>> -> memref<6656xi32, #tpu.memory_space<vmem>>
        %dma_wait3A_112 = arith.constant 0 : i32
        %dma_wait3A_113 = tpu.memref_slice %arg3[%dma_wait3A_112] : memref<640000xi32, #tpu.memory_space<hbm>> -> memref<6656xi32, #tpu.memory_space<hbm>>
        tpu.wait_dma2 semaphore(%arg10 : memref<!tpu.dma_semaphore, #tpu.memory_space<semaphore_mem>>) src(%dma_wait3A_113 : memref<6656xi32, #tpu.memory_space<hbm>>) dst(%dma_wait3A_111 : memref<6656xi32, #tpu.memory_space<vmem>>)
      } else {
      }
      %add3A_70 = arith.constant 1 : i32
      %add3A_71 = arith.addi %scan3A_59, %add3A_70 : i32
      %lt3A_72 = arith.constant 3 : i32
      %lt3A_73 = arith.cmpi slt, %add3A_71, %lt3A_72 : i32
      %eq3A_74 = arith.constant 0 : i32
      %eq3A_75 = arith.cmpi eq, %and3A_60, %eq3A_74 : i32
      %and3A_76 = arith.andi %lt3A_73, %eq3A_75 : i1
      %convert_element_type3A_77 = arith.extui %and3A_76 : i1 to i32
      %cond3A_78 = arith.constant 0 : i32
      %cond3A_79 = arith.cmpi ne, %convert_element_type3A_77, %cond3A_78 : i32
      scf.if %cond3A_79 {
        %add3A_95 = arith.constant 1 : i32
        %add3A_96 = arith.addi %scan3A_59, %add3A_95 : i32
        %mul3A_97 = arith.constant 6656 : i32
        %mul3A_98 = arith.muli %add3A_96, %mul3A_97 : i32
        %add3A_99 = arith.addi %mul3A_2, %mul3A_98 : i32
        %dma_start3A_100 = arith.constant 0 : i32
        %dma_start3A_101 = arith.constant 6656 : i32
        %dma_start3A_102 = tpu.memref_slice %arg5[%dma_start3A_100, %dma_start3A_101] : memref<2x13312xi32, #tpu.memory_space<vmem>> -> memref<2x6656xi32, #tpu.memory_space<vmem>>
        %dma_start3A_103 = arith.constant 0 : i32
        %dma_start3A_104 = tpu.memref_slice %arg2[%dma_start3A_103, %add3A_99] : memref<2x640000xi32, #tpu.memory_space<hbm>> -> memref<2x6656xi32, #tpu.memory_space<hbm>>
        %dma_start3A_105 = arith.constant 0 : i32
        %dma_start3A_106 = arith.constant 6656 : i32
        %dma_start3A_107 = tpu.memref_slice %arg5[%dma_start3A_105, %dma_start3A_106] : memref<2x13312xi32, #tpu.memory_space<vmem>> -> memref<2x6656xi32, #tpu.memory_space<vmem>>
        %dma_start3A_108 = arith.constant 0 : i32
        %dma_start3A_109 = tpu.memref_slice %arg2[%dma_start3A_108, %add3A_99] : memref<2x640000xi32, #tpu.memory_space<hbm>> -> memref<2x6656xi32, #tpu.memory_space<hbm>>
        tpu.enqueue_dma source(%dma_start3A_109 : memref<2x6656xi32, #tpu.memory_space<hbm>>) target(%dma_start3A_107 : memref<2x6656xi32, #tpu.memory_space<vmem>>) target_semaphore(%arg10 : memref<!tpu.dma_semaphore, #tpu.memory_space<semaphore_mem>>)
        %dma_start3A_110 = arith.constant 6656 : i32
        %dma_start3A_111 = tpu.memref_slice %arg6[%dma_start3A_110] : memref<13312xi32, #tpu.memory_space<vmem>> -> memref<6656xi32, #tpu.memory_space<vmem>>
        %dma_start3A_112 = tpu.memref_slice %arg3[%add3A_99] : memref<640000xi32, #tpu.memory_space<hbm>> -> memref<6656xi32, #tpu.memory_space<hbm>>
        %dma_start3A_113 = arith.constant 6656 : i32
        %dma_start3A_114 = tpu.memref_slice %arg6[%dma_start3A_113] : memref<13312xi32, #tpu.memory_space<vmem>> -> memref<6656xi32, #tpu.memory_space<vmem>>
        %dma_start3A_115 = tpu.memref_slice %arg3[%add3A_99] : memref<640000xi32, #tpu.memory_space<hbm>> -> memref<6656xi32, #tpu.memory_space<hbm>>
        tpu.enqueue_dma source(%dma_start3A_115 : memref<6656xi32, #tpu.memory_space<hbm>>) target(%dma_start3A_114 : memref<6656xi32, #tpu.memory_space<vmem>>) target_semaphore(%arg10 : memref<!tpu.dma_semaphore, #tpu.memory_space<semaphore_mem>>)
      } else {
      }
      %add3A_80 = arith.constant 1 : i32
      %add3A_81 = arith.addi %scan3A_59, %add3A_80 : i32
      %lt3A_82 = arith.constant 3 : i32
      %lt3A_83 = arith.cmpi slt, %add3A_81, %lt3A_82 : i32
      %eq3A_84 = arith.constant 1 : i32
      %eq3A_85 = arith.cmpi eq, %and3A_60, %eq3A_84 : i32
      %and3A_86 = arith.andi %lt3A_83, %eq3A_85 : i1
      %convert_element_type3A_87 = arith.extui %and3A_86 : i1 to i32
      %cond3A_88 = arith.constant 0 : i32
      %cond3A_89 = arith.cmpi ne, %convert_element_type3A_87, %cond3A_88 : i32
      scf.if %cond3A_89 {
        %add3A_95 = arith.constant 1 : i32
        %add3A_96 = arith.addi %scan3A_59, %add3A_95 : i32
        %mul3A_97 = arith.constant 6656 : i32
        %mul3A_98 = arith.muli %add3A_96, %mul3A_97 : i32
        %add3A_99 = arith.addi %mul3A_2, %mul3A_98 : i32
        %dma_start3A_100 = arith.constant 0 : i32
        %dma_start3A_101 = arith.constant 0 : i32
        %dma_start3A_102 = tpu.memref_slice %arg5[%dma_start3A_100, %dma_start3A_101] : memref<2x13312xi32, #tpu.memory_space<vmem>> -> memref<2x6656xi32, #tpu.memory_space<vmem>>
        %dma_start3A_103 = arith.constant 0 : i32
        %dma_start3A_104 = tpu.memref_slice %arg2[%dma_start3A_103, %add3A_99] : memref<2x640000xi32, #tpu.memory_space<hbm>> -> memref<2x6656xi32, #tpu.memory_space<hbm>>
        %dma_start3A_105 = arith.constant 0 : i32
        %dma_start3A_106 = arith.constant 0 : i32
        %dma_start3A_107 = tpu.memref_slice %arg5[%dma_start3A_105, %dma_start3A_106] : memref<2x13312xi32, #tpu.memory_space<vmem>> -> memref<2x6656xi32, #tpu.memory_space<vmem>>
        %dma_start3A_108 = arith.constant 0 : i32
        %dma_start3A_109 = tpu.memref_slice %arg2[%dma_start3A_108, %add3A_99] : memref<2x640000xi32, #tpu.memory_space<hbm>> -> memref<2x6656xi32, #tpu.memory_space<hbm>>
        tpu.enqueue_dma source(%dma_start3A_109 : memref<2x6656xi32, #tpu.memory_space<hbm>>) target(%dma_start3A_107 : memref<2x6656xi32, #tpu.memory_space<vmem>>) target_semaphore(%arg9 : memref<!tpu.dma_semaphore, #tpu.memory_space<semaphore_mem>>)
        %dma_start3A_110 = arith.constant 0 : i32
        %dma_start3A_111 = tpu.memref_slice %arg6[%dma_start3A_110] : memref<13312xi32, #tpu.memory_space<vmem>> -> memref<6656xi32, #tpu.memory_space<vmem>>
        %dma_start3A_112 = tpu.memref_slice %arg3[%add3A_99] : memref<640000xi32, #tpu.memory_space<hbm>> -> memref<6656xi32, #tpu.memory_space<hbm>>
        %dma_start3A_113 = arith.constant 0 : i32
        %dma_start3A_114 = tpu.memref_slice %arg6[%dma_start3A_113] : memref<13312xi32, #tpu.memory_space<vmem>> -> memref<6656xi32, #tpu.memory_space<vmem>>
        %dma_start3A_115 = tpu.memref_slice %arg3[%add3A_99] : memref<640000xi32, #tpu.memory_space<hbm>> -> memref<6656xi32, #tpu.memory_space<hbm>>
        tpu.enqueue_dma source(%dma_start3A_115 : memref<6656xi32, #tpu.memory_space<hbm>>) target(%dma_start3A_114 : memref<6656xi32, #tpu.memory_space<vmem>>) target_semaphore(%arg9 : memref<!tpu.dma_semaphore, #tpu.memory_space<semaphore_mem>>)
      } else {
      }
      %mul3A_90 = arith.constant 6656 : i32
      %mul3A_91 = arith.muli %and3A_60, %mul3A_90 : i32
      %parallel_loop3A_92 = arith.constant 0 : i32
      %parallel_loop3A_93 = arith.constant 416 : i32
      %parallel_loop3A_94 = arith.constant 1 : i32
      scf.for %parallel_loop3A_95 = %parallel_loop3A_92 to %parallel_loop3A_93 step %parallel_loop3A_94  : i32 {
        %parallel_loop3A_96 = arith.constant 16 : i32
        %parallel_loop3A_97 = arith.muli %parallel_loop3A_95, %parallel_loop3A_96 : i32
        %parallel_loop3A_98 = arith.addi %mul3A_91, %parallel_loop3A_97 : i32
        %parallel_loop3A_99 = arith.constant 0 : i32
        %parallel_loop3A_100 = arith.index_cast %parallel_loop3A_99 : i32 to index
        %parallel_loop3A_101 = arith.index_cast %parallel_loop3A_98 : i32 to index
        %parallel_loop3A_102 = tpu.vector_load %arg5[%parallel_loop3A_100, %parallel_loop3A_101] {strides = array<i32>} : memref<2x13312xi32, #tpu.memory_space<vmem>>, vector<16xi32>,
        %parallel_loop3A_103 = arith.constant 1 : i32
        %parallel_loop3A_104 = arith.index_cast %parallel_loop3A_103 : i32 to index
        %parallel_loop3A_105 = arith.index_cast %parallel_loop3A_98 : i32 to index
        %parallel_loop3A_106 = tpu.vector_load %arg5[%parallel_loop3A_104, %parallel_loop3A_105] {strides = array<i32>} : memref<2x13312xi32, #tpu.memory_space<vmem>>, vector<16xi32>,
        %parallel_loop3A_107 = arith.index_cast %parallel_loop3A_98 : i32 to index
        %parallel_loop3A_108 = tpu.vector_load %arg6[%parallel_loop3A_107] {strides = array<i32>} : memref<13312xi32, #tpu.memory_space<vmem>>, vector<16xi32>,
        %parallel_loop3A_109 = arith.constant 128 : i32
        %parallel_loop3A_110 = vector.broadcast %parallel_loop3A_109 : i32 to vector<16xi32>
        %parallel_loop3A_111 = arith.muli %parallel_loop3A_106, %parallel_loop3A_110 : vector<16xi32>
        %parallel_loop3A_112 = arith.constant 8 : i32
        %parallel_loop3A_113 = vector.broadcast %parallel_loop3A_112 : i32 to vector<16xi32>
        %parallel_loop3A_114 = arith.muli %parallel_loop3A_108, %parallel_loop3A_113 : vector<16xi32>
        %parallel_loop3A_115 = arith.addi %parallel_loop3A_111, %parallel_loop3A_114 : vector<16xi32>
        %parallel_loop3A_116 = arith.addi %parallel_loop3A_102, %mul3A_25 : vector<16xi32>
        %parallel_loop3A_117 = arith.addi %parallel_loop3A_115, %parallel_loop3A_116 : vector<16xi32>
        tpu.vector_store_idx %arg7[%parallel_loop3A_117], %broadcast_in_dim3A_27 {add = true} : memref<16384xf32, #tpu.memory_space<vmem>>[vector<16xi32>], vector<16xf32>,
      } {sc.loop_unroll_factor = 8 : i64, sc.parallel_access}
    }
    %scan3A_32 = arith.constant 3 : i32
    %lt3A = arith.constant 2 : i32
    %lt3A_33 = arith.cmpi slt, %add3A, %lt3A : i32
    %convert_element_type3A = arith.extui %lt3A_33 : i1 to i32
    %cond3A = arith.constant 0 : i32
    %cond3A_34 = arith.cmpi ne, %convert_element_type3A, %cond3A : i32
    scf.if %cond3A_34 {
      %add3A_59 = arith.constant 1248 : i32
      %add3A_60 = arith.addi %add3A_59, %add3A : i32
      %mul3A_61 = arith.constant 512 : i32
      %mul3A_62 = arith.muli %add3A_60, %mul3A_61 : i32
      %dma_start3A_63 = arith.constant 0 : i32
      %dma_start3A_64 = arith.constant 0 : i32
      %dma_start3A_65 = tpu.memref_slice %arg5[%dma_start3A_63, %dma_start3A_64] : memref<2x13312xi32, #tpu.memory_space<vmem>> -> memref<2x512xi32, #tpu.memory_space<vmem>>
      %dma_start3A_66 = arith.constant 0 : i32
      %dma_start3A_67 = tpu.memref_slice %arg2[%dma_start3A_66, %mul3A_62] : memref<2x640000xi32, #tpu.memory_space<hbm>> -> memref<2x512xi32, #tpu.memory_space<hbm>>
      %dma_start3A_68 = arith.constant 0 : i32
      %dma_start3A_69 = arith.constant 0 : i32
      %dma_start3A_70 = tpu.memref_slice %arg5[%dma_start3A_68, %dma_start3A_69] : memref<2x13312xi32, #tpu.memory_space<vmem>> -> memref<2x512xi32, #tpu.memory_space<vmem>>
      %dma_start3A_71 = arith.constant 0 : i32
      %dma_start3A_72 = tpu.memref_slice %arg2[%dma_start3A_71, %mul3A_62] : memref<2x640000xi32, #tpu.memory_space<hbm>> -> memref<2x512xi32, #tpu.memory_space<hbm>>
      tpu.enqueue_dma source(%dma_start3A_72 : memref<2x512xi32, #tpu.memory_space<hbm>>) target(%dma_start3A_70 : memref<2x512xi32, #tpu.memory_space<vmem>>) target_semaphore(%arg9 : memref<!tpu.dma_semaphore, #tpu.memory_space<semaphore_mem>>)
      %dma_start3A_73 = arith.constant 0 : i32
      %dma_start3A_74 = tpu.memref_slice %arg6[%dma_start3A_73] : memref<13312xi32, #tpu.memory_space<vmem>> -> memref<512xi32, #tpu.memory_space<vmem>>
      %dma_start3A_75 = tpu.memref_slice %arg3[%mul3A_62] : memref<640000xi32, #tpu.memory_space<hbm>> -> memref<512xi32, #tpu.memory_space<hbm>>
      %dma_start3A_76 = arith.constant 0 : i32
      %dma_start3A_77 = tpu.memref_slice %arg6[%dma_start3A_76] : memref<13312xi32, #tpu.memory_space<vmem>> -> memref<512xi32, #tpu.memory_space<vmem>>
      %dma_start3A_78 = tpu.memref_slice %arg3[%mul3A_62] : memref<640000xi32, #tpu.memory_space<hbm>> -> memref<512xi32, #tpu.memory_space<hbm>>
      tpu.enqueue_dma source(%dma_start3A_78 : memref<512xi32, #tpu.memory_space<hbm>>) target(%dma_start3A_77 : memref<512xi32, #tpu.memory_space<vmem>>) target_semaphore(%arg9 : memref<!tpu.dma_semaphore, #tpu.memory_space<semaphore_mem>>)
      %dma_wait3A = arith.constant 0 : i32
      %dma_wait3A_79 = arith.constant 0 : i32
      %dma_wait3A_80 = tpu.memref_slice %arg5[%dma_wait3A, %dma_wait3A_79] : memref<2x13312xi32, #tpu.memory_space<vmem>> -> memref<2x512xi32, #tpu.memory_space<vmem>>
      %dma_wait3A_81 = arith.constant 0 : i32
      %dma_wait3A_82 = tpu.memref_slice %arg2[%dma_wait3A_81, %mul3A_62] : memref<2x640000xi32, #tpu.memory_space<hbm>> -> memref<2x512xi32, #tpu.memory_space<hbm>>
      %dma_wait3A_83 = arith.constant 0 : i32
      %dma_wait3A_84 = arith.constant 0 : i32
      %dma_wait3A_85 = tpu.memref_slice %arg5[%dma_wait3A_83, %dma_wait3A_84] : memref<2x13312xi32, #tpu.memory_space<vmem>> -> memref<2x512xi32, #tpu.memory_space<vmem>>
      %dma_wait3A_86 = arith.constant 0 : i32
      %dma_wait3A_87 = tpu.memref_slice %arg2[%dma_wait3A_86, %mul3A_62] : memref<2x640000xi32, #tpu.memory_space<hbm>> -> memref<2x512xi32, #tpu.memory_space<hbm>>
      tpu.wait_dma2 semaphore(%arg9 : memref<!tpu.dma_semaphore, #tpu.memory_space<semaphore_mem>>) src(%dma_wait3A_87 : memref<2x512xi32, #tpu.memory_space<hbm>>) dst(%dma_wait3A_85 : memref<2x512xi32, #tpu.memory_space<vmem>>)
      %dma_wait3A_88 = arith.constant 0 : i32
      %dma_wait3A_89 = tpu.memref_slice %arg6[%dma_wait3A_88] : memref<13312xi32, #tpu.memory_space<vmem>> -> memref<512xi32, #tpu.memory_space<vmem>>
      %dma_wait3A_90 = tpu.memref_slice %arg3[%mul3A_62] : memref<640000xi32, #tpu.memory_space<hbm>> -> memref<512xi32, #tpu.memory_space<hbm>>
      %dma_wait3A_91 = arith.constant 0 : i32
      %dma_wait3A_92 = tpu.memref_slice %arg6[%dma_wait3A_91] : memref<13312xi32, #tpu.memory_space<vmem>> -> memref<512xi32, #tpu.memory_space<vmem>>
      %dma_wait3A_93 = tpu.memref_slice %arg3[%mul3A_62] : memref<640000xi32, #tpu.memory_space<hbm>> -> memref<512xi32, #tpu.memory_space<hbm>>
      tpu.wait_dma2 semaphore(%arg9 : memref<!tpu.dma_semaphore, #tpu.memory_space<semaphore_mem>>) src(%dma_wait3A_93 : memref<512xi32, #tpu.memory_space<hbm>>) dst(%dma_wait3A_92 : memref<512xi32, #tpu.memory_space<vmem>>)
      %parallel_loop3A_94 = arith.constant 0 : i32
      %parallel_loop3A_95 = arith.constant 32 : i32
      %parallel_loop3A_96 = arith.constant 1 : i32
      scf.for %parallel_loop3A_97 = %parallel_loop3A_94 to %parallel_loop3A_95 step %parallel_loop3A_96  : i32 {
        %parallel_loop3A_98 = arith.constant 16 : i32
        %parallel_loop3A_99 = arith.muli %parallel_loop3A_97, %parallel_loop3A_98 : i32
        %parallel_loop3A_100 = arith.constant 0 : i32
        %parallel_loop3A_101 = arith.index_cast %parallel_loop3A_100 : i32 to index
        %parallel_loop3A_102 = arith.index_cast %parallel_loop3A_99 : i32 to index
        %parallel_loop3A_103 = tpu.vector_load %arg5[%parallel_loop3A_101, %parallel_loop3A_102] {strides = array<i32>} : memref<2x13312xi32, #tpu.memory_space<vmem>>, vector<16xi32>,
        %parallel_loop3A_104 = arith.constant 1 : i32
        %parallel_loop3A_105 = arith.index_cast %parallel_loop3A_104 : i32 to index
        %parallel_loop3A_106 = arith.index_cast %parallel_loop3A_99 : i32 to index
        %parallel_loop3A_107 = tpu.vector_load %arg5[%parallel_loop3A_105, %parallel_loop3A_106] {strides = array<i32>} : memref<2x13312xi32, #tpu.memory_space<vmem>>, vector<16xi32>,
        %parallel_loop3A_108 = arith.index_cast %parallel_loop3A_99 : i32 to index
        %parallel_loop3A_109 = tpu.vector_load %arg6[%parallel_loop3A_108] {strides = array<i32>} : memref<13312xi32, #tpu.memory_space<vmem>>, vector<16xi32>,
        %parallel_loop3A_110 = arith.constant 128 : i32
        %parallel_loop3A_111 = vector.broadcast %parallel_loop3A_110 : i32 to vector<16xi32>
        %parallel_loop3A_112 = arith.muli %parallel_loop3A_107, %parallel_loop3A_111 : vector<16xi32>
        %parallel_loop3A_113 = arith.constant 8 : i32
        %parallel_loop3A_114 = vector.broadcast %parallel_loop3A_113 : i32 to vector<16xi32>
        %parallel_loop3A_115 = arith.muli %parallel_loop3A_109, %parallel_loop3A_114 : vector<16xi32>
        %parallel_loop3A_116 = arith.addi %parallel_loop3A_112, %parallel_loop3A_115 : vector<16xi32>
        %parallel_loop3A_117 = arith.addi %parallel_loop3A_103, %mul3A_25 : vector<16xi32>
        %parallel_loop3A_118 = arith.addi %parallel_loop3A_116, %parallel_loop3A_117 : vector<16xi32>
        tpu.vector_store_idx %arg7[%parallel_loop3A_118], %broadcast_in_dim3A_27 {add = true} : memref<16384xf32, #tpu.memory_space<vmem>>[vector<16xi32>], vector<16xf32>,
      } {sc.loop_unroll_factor = 2 : i64, sc.parallel_access}
    } else {
    }
    %parallel_loop3A_35 = arith.constant 0 : i32
    %parallel_loop3A_36 = arith.constant 8 : i32
    %parallel_loop3A_37 = arith.constant 1 : i32
    scf.for %parallel_loop3A_59 = %parallel_loop3A_35 to %parallel_loop3A_36 step %parallel_loop3A_37  : i32 {
      %parallel_loop3A_60 = arith.constant 16 : i32
      %parallel_loop3A_61 = arith.muli %parallel_loop3A_59, %parallel_loop3A_60 : i32
      %parallel_loop3A_62 = arith.constant 0 : i32
      %parallel_loop3A_63 = arith.addi %parallel_loop3A_62, %parallel_loop3A_61 : i32
      %parallel_loop3A_64 = arith.index_cast %parallel_loop3A_63 : i32 to index
      %parallel_loop3A_65 = tpu.vector_load %arg7[%parallel_loop3A_64] {strides = array<i32>} : memref<16384xf32, #tpu.memory_space<vmem>>, vector<16xf32>,
      %parallel_loop3A_66 = arith.constant 1024 : i32
      %parallel_loop3A_67 = arith.addi %parallel_loop3A_66, %parallel_loop3A_63 : i32
      %parallel_loop3A_68 = arith.index_cast %parallel_loop3A_67 : i32 to index
      %parallel_loop3A_69 = tpu.vector_load %arg7[%parallel_loop3A_68] {strides = array<i32>} : memref<16384xf32, #tpu.memory_space<vmem>>, vector<16xf32>,
      %parallel_loop3A_70 = arith.addf %parallel_loop3A_65, %parallel_loop3A_69 : vector<16xf32>
      %parallel_loop3A_71 = arith.constant 2048 : i32
      %parallel_loop3A_72 = arith.addi %parallel_loop3A_71, %parallel_loop3A_63 : i32
      %parallel_loop3A_73 = arith.index_cast %parallel_loop3A_72 : i32 to index
      %parallel_loop3A_74 = tpu.vector_load %arg7[%parallel_loop3A_73] {strides = array<i32>} : memref<16384xf32, #tpu.memory_space<vmem>>, vector<16xf32>,
      %parallel_loop3A_75 = arith.addf %parallel_loop3A_70, %parallel_loop3A_74 : vector<16xf32>
      %parallel_loop3A_76 = arith.constant 3072 : i32
      %parallel_loop3A_77 = arith.addi %parallel_loop3A_76, %parallel_loop3A_63 : i32
      %parallel_loop3A_78 = arith.index_cast %parallel_loop3A_77 : i32 to index
      %parallel_loop3A_79 = tpu.vector_load %arg7[%parallel_loop3A_78] {strides = array<i32>} : memref<16384xf32, #tpu.memory_space<vmem>>, vector<16xf32>,
      %parallel_loop3A_80 = arith.addf %parallel_loop3A_75, %parallel_loop3A_79 : vector<16xf32>
      %parallel_loop3A_81 = arith.constant 4096 : i32
      %parallel_loop3A_82 = arith.addi %parallel_loop3A_81, %parallel_loop3A_63 : i32
      %parallel_loop3A_83 = arith.index_cast %parallel_loop3A_82 : i32 to index
      %parallel_loop3A_84 = tpu.vector_load %arg7[%parallel_loop3A_83] {strides = array<i32>} : memref<16384xf32, #tpu.memory_space<vmem>>, vector<16xf32>,
      %parallel_loop3A_85 = arith.addf %parallel_loop3A_80, %parallel_loop3A_84 : vector<16xf32>
      %parallel_loop3A_86 = arith.constant 5120 : i32
      %parallel_loop3A_87 = arith.addi %parallel_loop3A_86, %parallel_loop3A_63 : i32
      %parallel_loop3A_88 = arith.index_cast %parallel_loop3A_87 : i32 to index
      %parallel_loop3A_89 = tpu.vector_load %arg7[%parallel_loop3A_88] {strides = array<i32>} : memref<16384xf32, #tpu.memory_space<vmem>>, vector<16xf32>,
      %parallel_loop3A_90 = arith.addf %parallel_loop3A_85, %parallel_loop3A_89 : vector<16xf32>
      %parallel_loop3A_91 = arith.constant 6144 : i32
      %parallel_loop3A_92 = arith.addi %parallel_loop3A_91, %parallel_loop3A_63 : i32
      %parallel_loop3A_93 = arith.index_cast %parallel_loop3A_92 : i32 to index
      %parallel_loop3A_94 = tpu.vector_load %arg7[%parallel_loop3A_93] {strides = array<i32>} : memref<16384xf32, #tpu.memory_space<vmem>>, vector<16xf32>,
      %parallel_loop3A_95 = arith.addf %parallel_loop3A_90, %parallel_loop3A_94 : vector<16xf32>
      %parallel_loop3A_96 = arith.constant 7168 : i32
      %parallel_loop3A_97 = arith.addi %parallel_loop3A_96, %parallel_loop3A_63 : i32
      %parallel_loop3A_98 = arith.index_cast %parallel_loop3A_97 : i32 to index
      %parallel_loop3A_99 = tpu.vector_load %arg7[%parallel_loop3A_98] {strides = array<i32>} : memref<16384xf32, #tpu.memory_space<vmem>>, vector<16xf32>,
      %parallel_loop3A_100 = arith.addf %parallel_loop3A_95, %parallel_loop3A_99 : vector<16xf32>
      %parallel_loop3A_101 = arith.constant 8192 : i32
      %parallel_loop3A_102 = arith.addi %parallel_loop3A_101, %parallel_loop3A_63 : i32
      %parallel_loop3A_103 = arith.index_cast %parallel_loop3A_102 : i32 to index
      %parallel_loop3A_104 = tpu.vector_load %arg7[%parallel_loop3A_103] {strides = array<i32>} : memref<16384xf32, #tpu.memory_space<vmem>>, vector<16xf32>,
      %parallel_loop3A_105 = arith.addf %parallel_loop3A_100, %parallel_loop3A_104 : vector<16xf32>
      %parallel_loop3A_106 = arith.constant 9216 : i32
      %parallel_loop3A_107 = arith.addi %parallel_loop3A_106, %parallel_loop3A_63 : i32
      %parallel_loop3A_108 = arith.index_cast %parallel_loop3A_107 : i32 to index
      %parallel_loop3A_109 = tpu.vector_load %arg7[%parallel_loop3A_108] {strides = array<i32>} : memref<16384xf32, #tpu.memory_space<vmem>>, vector<16xf32>,
      %parallel_loop3A_110 = arith.addf %parallel_loop3A_105, %parallel_loop3A_109 : vector<16xf32>
      %parallel_loop3A_111 = arith.constant 10240 : i32
      %parallel_loop3A_112 = arith.addi %parallel_loop3A_111, %parallel_loop3A_63 : i32
      %parallel_loop3A_113 = arith.index_cast %parallel_loop3A_112 : i32 to index
      %parallel_loop3A_114 = tpu.vector_load %arg7[%parallel_loop3A_113] {strides = array<i32>} : memref<16384xf32, #tpu.memory_space<vmem>>, vector<16xf32>,
      %parallel_loop3A_115 = arith.addf %parallel_loop3A_110, %parallel_loop3A_114 : vector<16xf32>
      %parallel_loop3A_116 = arith.constant 11264 : i32
      %parallel_loop3A_117 = arith.addi %parallel_loop3A_116, %parallel_loop3A_63 : i32
      %parallel_loop3A_118 = arith.index_cast %parallel_loop3A_117 : i32 to index
      %parallel_loop3A_119 = tpu.vector_load %arg7[%parallel_loop3A_118] {strides = array<i32>} : memref<16384xf32, #tpu.memory_space<vmem>>, vector<16xf32>,
      %parallel_loop3A_120 = arith.addf %parallel_loop3A_115, %parallel_loop3A_119 : vector<16xf32>
      %parallel_loop3A_121 = arith.constant 12288 : i32
      %parallel_loop3A_122 = arith.addi %parallel_loop3A_121, %parallel_loop3A_63 : i32
      %parallel_loop3A_123 = arith.index_cast %parallel_loop3A_122 : i32 to index
      %parallel_loop3A_124 = tpu.vector_load %arg7[%parallel_loop3A_123] {strides = array<i32>} : memref<16384xf32, #tpu.memory_space<vmem>>, vector<16xf32>,
      %parallel_loop3A_125 = arith.addf %parallel_loop3A_120, %parallel_loop3A_124 : vector<16xf32>
      %parallel_loop3A_126 = arith.constant 13312 : i32
      %parallel_loop3A_127 = arith.addi %parallel_loop3A_126, %parallel_loop3A_63 : i32
      %parallel_loop3A_128 = arith.index_cast %parallel_loop3A_127 : i32 to index
      %parallel_loop3A_129 = tpu.vector_load %arg7[%parallel_loop3A_128] {strides = array<i32>} : memref<16384xf32, #tpu.memory_space<vmem>>, vector<16xf32>,
      %parallel_loop3A_130 = arith.addf %parallel_loop3A_125, %parallel_loop3A_129 : vector<16xf32>
      %parallel_loop3A_131 = arith.constant 14336 : i32
      %parallel_loop3A_132 = arith.addi %parallel_loop3A_131, %parallel_loop3A_63 : i32
      %parallel_loop3A_133 = arith.index_cast %parallel_loop3A_132 : i32 to index
      %parallel_loop3A_134 = tpu.vector_load %arg7[%parallel_loop3A_133] {strides = array<i32>} : memref<16384xf32, #tpu.memory_space<vmem>>, vector<16xf32>,
      %parallel_loop3A_135 = arith.addf %parallel_loop3A_130, %parallel_loop3A_134 : vector<16xf32>
      %parallel_loop3A_136 = arith.constant 15360 : i32
      %parallel_loop3A_137 = arith.addi %parallel_loop3A_136, %parallel_loop3A_63 : i32
      %parallel_loop3A_138 = arith.index_cast %parallel_loop3A_137 : i32 to index
      %parallel_loop3A_139 = tpu.vector_load %arg7[%parallel_loop3A_138] {strides = array<i32>} : memref<16384xf32, #tpu.memory_space<vmem>>, vector<16xf32>,
      %parallel_loop3A_140 = arith.addf %parallel_loop3A_135, %parallel_loop3A_139 : vector<16xf32>
      %parallel_loop3A_141 = arith.constant 16 : i32
      %parallel_loop3A_142 = arith.muli %parallel_loop3A_59, %parallel_loop3A_141 : i32
      %parallel_loop3A_143 = arith.constant 0 : i32
      %parallel_loop3A_144 = arith.index_cast %parallel_loop3A_143 : i32 to index
      %parallel_loop3A_145 = arith.index_cast %parallel_loop3A_142 : i32 to index
      %parallel_loop3A_146 = tpu.vector_load %arg8[%parallel_loop3A_144, %parallel_loop3A_145] {strides = array<i32>} : memref<8x128xf32, #tpu.memory_space<vmem>>, vector<16xf32>,
      tpu.vector_store %arg8[%parallel_loop3A_144, %parallel_loop3A_145], %parallel_loop3A_140 {strides = array<i32>} : memref<8x128xf32, #tpu.memory_space<vmem>>, vector<16xf32>,
    } {sc.loop_unroll_factor = 1 : i64, sc.parallel_access}
    %parallel_loop3A_38 = arith.constant 0 : i32
    %parallel_loop3A_39 = arith.constant 8 : i32
    %parallel_loop3A_40 = arith.constant 1 : i32
    scf.for %parallel_loop3A_59 = %parallel_loop3A_38 to %parallel_loop3A_39 step %parallel_loop3A_40  : i32 {
      %parallel_loop3A_60 = arith.constant 16 : i32
      %parallel_loop3A_61 = arith.muli %parallel_loop3A_59, %parallel_loop3A_60 : i32
      %parallel_loop3A_62 = arith.constant 128 : i32
      %parallel_loop3A_63 = arith.addi %parallel_loop3A_62, %parallel_loop3A_61 : i32
      %parallel_loop3A_64 = arith.index_cast %parallel_loop3A_63 : i32 to index
      %parallel_loop3A_65 = tpu.vector_load %arg7[%parallel_loop3A_64] {strides = array<i32>} : memref<16384xf32, #tpu.memory_space<vmem>>, vector<16xf32>,
      %parallel_loop3A_66 = arith.constant 1024 : i32
      %parallel_loop3A_67 = arith.addi %parallel_loop3A_66, %parallel_loop3A_63 : i32
      %parallel_loop3A_68 = arith.index_cast %parallel_loop3A_67 : i32 to index
      %parallel_loop3A_69 = tpu.vector_load %arg7[%parallel_loop3A_68] {strides = array<i32>} : memref<16384xf32, #tpu.memory_space<vmem>>, vector<16xf32>,
      %parallel_loop3A_70 = arith.addf %parallel_loop3A_65, %parallel_loop3A_69 : vector<16xf32>
      %parallel_loop3A_71 = arith.constant 2048 : i32
      %parallel_loop3A_72 = arith.addi %parallel_loop3A_71, %parallel_loop3A_63 : i32
      %parallel_loop3A_73 = arith.index_cast %parallel_loop3A_72 : i32 to index
      %parallel_loop3A_74 = tpu.vector_load %arg7[%parallel_loop3A_73] {strides = array<i32>} : memref<16384xf32, #tpu.memory_space<vmem>>, vector<16xf32>,
      %parallel_loop3A_75 = arith.addf %parallel_loop3A_70, %parallel_loop3A_74 : vector<16xf32>
      %parallel_loop3A_76 = arith.constant 3072 : i32
      %parallel_loop3A_77 = arith.addi %parallel_loop3A_76, %parallel_loop3A_63 : i32
      %parallel_loop3A_78 = arith.index_cast %parallel_loop3A_77 : i32 to index
      %parallel_loop3A_79 = tpu.vector_load %arg7[%parallel_loop3A_78] {strides = array<i32>} : memref<16384xf32, #tpu.memory_space<vmem>>, vector<16xf32>,
      %parallel_loop3A_80 = arith.addf %parallel_loop3A_75, %parallel_loop3A_79 : vector<16xf32>
      %parallel_loop3A_81 = arith.constant 4096 : i32
      %parallel_loop3A_82 = arith.addi %parallel_loop3A_81, %parallel_loop3A_63 : i32
      %parallel_loop3A_83 = arith.index_cast %parallel_loop3A_82 : i32 to index
      %parallel_loop3A_84 = tpu.vector_load %arg7[%parallel_loop3A_83] {strides = array<i32>} : memref<16384xf32, #tpu.memory_space<vmem>>, vector<16xf32>,
      %parallel_loop3A_85 = arith.addf %parallel_loop3A_80, %parallel_loop3A_84 : vector<16xf32>
      %parallel_loop3A_86 = arith.constant 5120 : i32
      %parallel_loop3A_87 = arith.addi %parallel_loop3A_86, %parallel_loop3A_63 : i32
      %parallel_loop3A_88 = arith.index_cast %parallel_loop3A_87 : i32 to index
      %parallel_loop3A_89 = tpu.vector_load %arg7[%parallel_loop3A_88] {strides = array<i32>} : memref<16384xf32, #tpu.memory_space<vmem>>, vector<16xf32>,
      %parallel_loop3A_90 = arith.addf %parallel_loop3A_85, %parallel_loop3A_89 : vector<16xf32>
      %parallel_loop3A_91 = arith.constant 6144 : i32
      %parallel_loop3A_92 = arith.addi %parallel_loop3A_91, %parallel_loop3A_63 : i32
      %parallel_loop3A_93 = arith.index_cast %parallel_loop3A_92 : i32 to index
      %parallel_loop3A_94 = tpu.vector_load %arg7[%parallel_loop3A_93] {strides = array<i32>} : memref<16384xf32, #tpu.memory_space<vmem>>, vector<16xf32>,
      %parallel_loop3A_95 = arith.addf %parallel_loop3A_90, %parallel_loop3A_94 : vector<16xf32>
      %parallel_loop3A_96 = arith.constant 7168 : i32
      %parallel_loop3A_97 = arith.addi %parallel_loop3A_96, %parallel_loop3A_63 : i32
      %parallel_loop3A_98 = arith.index_cast %parallel_loop3A_97 : i32 to index
      %parallel_loop3A_99 = tpu.vector_load %arg7[%parallel_loop3A_98] {strides = array<i32>} : memref<16384xf32, #tpu.memory_space<vmem>>, vector<16xf32>,
      %parallel_loop3A_100 = arith.addf %parallel_loop3A_95, %parallel_loop3A_99 : vector<16xf32>
      %parallel_loop3A_101 = arith.constant 8192 : i32
      %parallel_loop3A_102 = arith.addi %parallel_loop3A_101, %parallel_loop3A_63 : i32
      %parallel_loop3A_103 = arith.index_cast %parallel_loop3A_102 : i32 to index
      %parallel_loop3A_104 = tpu.vector_load %arg7[%parallel_loop3A_103] {strides = array<i32>} : memref<16384xf32, #tpu.memory_space<vmem>>, vector<16xf32>,
      %parallel_loop3A_105 = arith.addf %parallel_loop3A_100, %parallel_loop3A_104 : vector<16xf32>
      %parallel_loop3A_106 = arith.constant 9216 : i32
      %parallel_loop3A_107 = arith.addi %parallel_loop3A_106, %parallel_loop3A_63 : i32
      %parallel_loop3A_108 = arith.index_cast %parallel_loop3A_107 : i32 to index
      %parallel_loop3A_109 = tpu.vector_load %arg7[%parallel_loop3A_108] {strides = array<i32>} : memref<16384xf32, #tpu.memory_space<vmem>>, vector<16xf32>,
      %parallel_loop3A_110 = arith.addf %parallel_loop3A_105, %parallel_loop3A_109 : vector<16xf32>
      %parallel_loop3A_111 = arith.constant 10240 : i32
      %parallel_loop3A_112 = arith.addi %parallel_loop3A_111, %parallel_loop3A_63 : i32
      %parallel_loop3A_113 = arith.index_cast %parallel_loop3A_112 : i32 to index
      %parallel_loop3A_114 = tpu.vector_load %arg7[%parallel_loop3A_113] {strides = array<i32>} : memref<16384xf32, #tpu.memory_space<vmem>>, vector<16xf32>,
      %parallel_loop3A_115 = arith.addf %parallel_loop3A_110, %parallel_loop3A_114 : vector<16xf32>
      %parallel_loop3A_116 = arith.constant 11264 : i32
      %parallel_loop3A_117 = arith.addi %parallel_loop3A_116, %parallel_loop3A_63 : i32
      %parallel_loop3A_118 = arith.index_cast %parallel_loop3A_117 : i32 to index
      %parallel_loop3A_119 = tpu.vector_load %arg7[%parallel_loop3A_118] {strides = array<i32>} : memref<16384xf32, #tpu.memory_space<vmem>>, vector<16xf32>,
      %parallel_loop3A_120 = arith.addf %parallel_loop3A_115, %parallel_loop3A_119 : vector<16xf32>
      %parallel_loop3A_121 = arith.constant 12288 : i32
      %parallel_loop3A_122 = arith.addi %parallel_loop3A_121, %parallel_loop3A_63 : i32
      %parallel_loop3A_123 = arith.index_cast %parallel_loop3A_122 : i32 to index
      %parallel_loop3A_124 = tpu.vector_load %arg7[%parallel_loop3A_123] {strides = array<i32>} : memref<16384xf32, #tpu.memory_space<vmem>>, vector<16xf32>,
      %parallel_loop3A_125 = arith.addf %parallel_loop3A_120, %parallel_loop3A_124 : vector<16xf32>
      %parallel_loop3A_126 = arith.constant 13312 : i32
      %parallel_loop3A_127 = arith.addi %parallel_loop3A_126, %parallel_loop3A_63 : i32
      %parallel_loop3A_128 = arith.index_cast %parallel_loop3A_127 : i32 to index
      %parallel_loop3A_129 = tpu.vector_load %arg7[%parallel_loop3A_128] {strides = array<i32>} : memref<16384xf32, #tpu.memory_space<vmem>>, vector<16xf32>,
      %parallel_loop3A_130 = arith.addf %parallel_loop3A_125, %parallel_loop3A_129 : vector<16xf32>
      %parallel_loop3A_131 = arith.constant 14336 : i32
      %parallel_loop3A_132 = arith.addi %parallel_loop3A_131, %parallel_loop3A_63 : i32
      %parallel_loop3A_133 = arith.index_cast %parallel_loop3A_132 : i32 to index
      %parallel_loop3A_134 = tpu.vector_load %arg7[%parallel_loop3A_133] {strides = array<i32>} : memref<16384xf32, #tpu.memory_space<vmem>>, vector<16xf32>,
      %parallel_loop3A_135 = arith.addf %parallel_loop3A_130, %parallel_loop3A_134 : vector<16xf32>
      %parallel_loop3A_136 = arith.constant 15360 : i32
      %parallel_loop3A_137 = arith.addi %parallel_loop3A_136, %parallel_loop3A_63 : i32
      %parallel_loop3A_138 = arith.index_cast %parallel_loop3A_137 : i32 to index
      %parallel_loop3A_139 = tpu.vector_load %arg7[%parallel_loop3A_138] {strides = array<i32>} : memref<16384xf32, #tpu.memory_space<vmem>>, vector<16xf32>,
      %parallel_loop3A_140 = arith.addf %parallel_loop3A_135, %parallel_loop3A_139 : vector<16xf32>
      %parallel_loop3A_141 = arith.constant 16 : i32
      %parallel_loop3A_142 = arith.muli %parallel_loop3A_59, %parallel_loop3A_141 : i32
      %parallel_loop3A_143 = arith.constant 1 : i32
      %parallel_loop3A_144 = arith.index_cast %parallel_loop3A_143 : i32 to index
      %parallel_loop3A_145 = arith.index_cast %parallel_loop3A_142 : i32 to index
      %parallel_loop3A_146 = tpu.vector_load %arg8[%parallel_loop3A_144, %parallel_loop3A_145] {strides = array<i32>} : memref<8x128xf32, #tpu.memory_space<vmem>>, vector<16xf32>,
      tpu.vector_store %arg8[%parallel_loop3A_144, %parallel_loop3A_145], %parallel_loop3A_140 {strides = array<i32>} : memref<8x128xf32, #tpu.memory_space<vmem>>, vector<16xf32>,
    } {sc.loop_unroll_factor = 1 : i64, sc.parallel_access}
    %parallel_loop3A_41 = arith.constant 0 : i32
    %parallel_loop3A_42 = arith.constant 8 : i32
    %parallel_loop3A_43 = arith.constant 1 : i32
    scf.for %parallel_loop3A_59 = %parallel_loop3A_41 to %parallel_loop3A_42 step %parallel_loop3A_43  : i32 {
      %parallel_loop3A_60 = arith.constant 16 : i32
      %parallel_loop3A_61 = arith.muli %parallel_loop3A_59, %parallel_loop3A_60 : i32
      %parallel_loop3A_62 = arith.constant 256 : i32
      %parallel_loop3A_63 = arith.addi %parallel_loop3A_62, %parallel_loop3A_61 : i32
      %parallel_loop3A_64 = arith.index_cast %parallel_loop3A_63 : i32 to index
      %parallel_loop3A_65 = tpu.vector_load %arg7[%parallel_loop3A_64] {strides = array<i32>} : memref<16384xf32, #tpu.memory_space<vmem>>, vector<16xf32>,
      %parallel_loop3A_66 = arith.constant 1024 : i32
      %parallel_loop3A_67 = arith.addi %parallel_loop3A_66, %parallel_loop3A_63 : i32
      %parallel_loop3A_68 = arith.index_cast %parallel_loop3A_67 : i32 to index
      %parallel_loop3A_69 = tpu.vector_load %arg7[%parallel_loop3A_68] {strides = array<i32>} : memref<16384xf32, #tpu.memory_space<vmem>>, vector<16xf32>,
      %parallel_loop3A_70 = arith.addf %parallel_loop3A_65, %parallel_loop3A_69 : vector<16xf32>
      %parallel_loop3A_71 = arith.constant 2048 : i32
      %parallel_loop3A_72 = arith.addi %parallel_loop3A_71, %parallel_loop3A_63 : i32
      %parallel_loop3A_73 = arith.index_cast %parallel_loop3A_72 : i32 to index
      %parallel_loop3A_74 = tpu.vector_load %arg7[%parallel_loop3A_73] {strides = array<i32>} : memref<16384xf32, #tpu.memory_space<vmem>>, vector<16xf32>,
      %parallel_loop3A_75 = arith.addf %parallel_loop3A_70, %parallel_loop3A_74 : vector<16xf32>
      %parallel_loop3A_76 = arith.constant 3072 : i32
      %parallel_loop3A_77 = arith.addi %parallel_loop3A_76, %parallel_loop3A_63 : i32
      %parallel_loop3A_78 = arith.index_cast %parallel_loop3A_77 : i32 to index
      %parallel_loop3A_79 = tpu.vector_load %arg7[%parallel_loop3A_78] {strides = array<i32>} : memref<16384xf32, #tpu.memory_space<vmem>>, vector<16xf32>,
      %parallel_loop3A_80 = arith.addf %parallel_loop3A_75, %parallel_loop3A_79 : vector<16xf32>
      %parallel_loop3A_81 = arith.constant 4096 : i32
      %parallel_loop3A_82 = arith.addi %parallel_loop3A_81, %parallel_loop3A_63 : i32
      %parallel_loop3A_83 = arith.index_cast %parallel_loop3A_82 : i32 to index
      %parallel_loop3A_84 = tpu.vector_load %arg7[%parallel_loop3A_83] {strides = array<i32>} : memref<16384xf32, #tpu.memory_space<vmem>>, vector<16xf32>,
      %parallel_loop3A_85 = arith.addf %parallel_loop3A_80, %parallel_loop3A_84 : vector<16xf32>
      %parallel_loop3A_86 = arith.constant 5120 : i32
      %parallel_loop3A_87 = arith.addi %parallel_loop3A_86, %parallel_loop3A_63 : i32
      %parallel_loop3A_88 = arith.index_cast %parallel_loop3A_87 : i32 to index
      %parallel_loop3A_89 = tpu.vector_load %arg7[%parallel_loop3A_88] {strides = array<i32>} : memref<16384xf32, #tpu.memory_space<vmem>>, vector<16xf32>,
      %parallel_loop3A_90 = arith.addf %parallel_loop3A_85, %parallel_loop3A_89 : vector<16xf32>
      %parallel_loop3A_91 = arith.constant 6144 : i32
      %parallel_loop3A_92 = arith.addi %parallel_loop3A_91, %parallel_loop3A_63 : i32
      %parallel_loop3A_93 = arith.index_cast %parallel_loop3A_92 : i32 to index
      %parallel_loop3A_94 = tpu.vector_load %arg7[%parallel_loop3A_93] {strides = array<i32>} : memref<16384xf32, #tpu.memory_space<vmem>>, vector<16xf32>,
      %parallel_loop3A_95 = arith.addf %parallel_loop3A_90, %parallel_loop3A_94 : vector<16xf32>
      %parallel_loop3A_96 = arith.constant 7168 : i32
      %parallel_loop3A_97 = arith.addi %parallel_loop3A_96, %parallel_loop3A_63 : i32
      %parallel_loop3A_98 = arith.index_cast %parallel_loop3A_97 : i32 to index
      %parallel_loop3A_99 = tpu.vector_load %arg7[%parallel_loop3A_98] {strides = array<i32>} : memref<16384xf32, #tpu.memory_space<vmem>>, vector<16xf32>,
      %parallel_loop3A_100 = arith.addf %parallel_loop3A_95, %parallel_loop3A_99 : vector<16xf32>
      %parallel_loop3A_101 = arith.constant 8192 : i32
      %parallel_loop3A_102 = arith.addi %parallel_loop3A_101, %parallel_loop3A_63 : i32
      %parallel_loop3A_103 = arith.index_cast %parallel_loop3A_102 : i32 to index
      %parallel_loop3A_104 = tpu.vector_load %arg7[%parallel_loop3A_103] {strides = array<i32>} : memref<16384xf32, #tpu.memory_space<vmem>>, vector<16xf32>,
      %parallel_loop3A_105 = arith.addf %parallel_loop3A_100, %parallel_loop3A_104 : vector<16xf32>
      %parallel_loop3A_106 = arith.constant 9216 : i32
      %parallel_loop3A_107 = arith.addi %parallel_loop3A_106, %parallel_loop3A_63 : i32
      %parallel_loop3A_108 = arith.index_cast %parallel_loop3A_107 : i32 to index
      %parallel_loop3A_109 = tpu.vector_load %arg7[%parallel_loop3A_108] {strides = array<i32>} : memref<16384xf32, #tpu.memory_space<vmem>>, vector<16xf32>,
      %parallel_loop3A_110 = arith.addf %parallel_loop3A_105, %parallel_loop3A_109 : vector<16xf32>
      %parallel_loop3A_111 = arith.constant 10240 : i32
      %parallel_loop3A_112 = arith.addi %parallel_loop3A_111, %parallel_loop3A_63 : i32
      %parallel_loop3A_113 = arith.index_cast %parallel_loop3A_112 : i32 to index
      %parallel_loop3A_114 = tpu.vector_load %arg7[%parallel_loop3A_113] {strides = array<i32>} : memref<16384xf32, #tpu.memory_space<vmem>>, vector<16xf32>,
      %parallel_loop3A_115 = arith.addf %parallel_loop3A_110, %parallel_loop3A_114 : vector<16xf32>
      %parallel_loop3A_116 = arith.constant 11264 : i32
      %parallel_loop3A_117 = arith.addi %parallel_loop3A_116, %parallel_loop3A_63 : i32
      %parallel_loop3A_118 = arith.index_cast %parallel_loop3A_117 : i32 to index
      %parallel_loop3A_119 = tpu.vector_load %arg7[%parallel_loop3A_118] {strides = array<i32>} : memref<16384xf32, #tpu.memory_space<vmem>>, vector<16xf32>,
      %parallel_loop3A_120 = arith.addf %parallel_loop3A_115, %parallel_loop3A_119 : vector<16xf32>
      %parallel_loop3A_121 = arith.constant 12288 : i32
      %parallel_loop3A_122 = arith.addi %parallel_loop3A_121, %parallel_loop3A_63 : i32
      %parallel_loop3A_123 = arith.index_cast %parallel_loop3A_122 : i32 to index
      %parallel_loop3A_124 = tpu.vector_load %arg7[%parallel_loop3A_123] {strides = array<i32>} : memref<16384xf32, #tpu.memory_space<vmem>>, vector<16xf32>,
      %parallel_loop3A_125 = arith.addf %parallel_loop3A_120, %parallel_loop3A_124 : vector<16xf32>
      %parallel_loop3A_126 = arith.constant 13312 : i32
      %parallel_loop3A_127 = arith.addi %parallel_loop3A_126, %parallel_loop3A_63 : i32
      %parallel_loop3A_128 = arith.index_cast %parallel_loop3A_127 : i32 to index
      %parallel_loop3A_129 = tpu.vector_load %arg7[%parallel_loop3A_128] {strides = array<i32>} : memref<16384xf32, #tpu.memory_space<vmem>>, vector<16xf32>,
      %parallel_loop3A_130 = arith.addf %parallel_loop3A_125, %parallel_loop3A_129 : vector<16xf32>
      %parallel_loop3A_131 = arith.constant 14336 : i32
      %parallel_loop3A_132 = arith.addi %parallel_loop3A_131, %parallel_loop3A_63 : i32
      %parallel_loop3A_133 = arith.index_cast %parallel_loop3A_132 : i32 to index
      %parallel_loop3A_134 = tpu.vector_load %arg7[%parallel_loop3A_133] {strides = array<i32>} : memref<16384xf32, #tpu.memory_space<vmem>>, vector<16xf32>,
      %parallel_loop3A_135 = arith.addf %parallel_loop3A_130, %parallel_loop3A_134 : vector<16xf32>
      %parallel_loop3A_136 = arith.constant 15360 : i32
      %parallel_loop3A_137 = arith.addi %parallel_loop3A_136, %parallel_loop3A_63 : i32
      %parallel_loop3A_138 = arith.index_cast %parallel_loop3A_137 : i32 to index
      %parallel_loop3A_139 = tpu.vector_load %arg7[%parallel_loop3A_138] {strides = array<i32>} : memref<16384xf32, #tpu.memory_space<vmem>>, vector<16xf32>,
      %parallel_loop3A_140 = arith.addf %parallel_loop3A_135, %parallel_loop3A_139 : vector<16xf32>
      %parallel_loop3A_141 = arith.constant 16 : i32
      %parallel_loop3A_142 = arith.muli %parallel_loop3A_59, %parallel_loop3A_141 : i32
      %parallel_loop3A_143 = arith.constant 2 : i32
      %parallel_loop3A_144 = arith.index_cast %parallel_loop3A_143 : i32 to index
      %parallel_loop3A_145 = arith.index_cast %parallel_loop3A_142 : i32 to index
      %parallel_loop3A_146 = tpu.vector_load %arg8[%parallel_loop3A_144, %parallel_loop3A_145] {strides = array<i32>} : memref<8x128xf32, #tpu.memory_space<vmem>>, vector<16xf32>,
      tpu.vector_store %arg8[%parallel_loop3A_144, %parallel_loop3A_145], %parallel_loop3A_140 {strides = array<i32>} : memref<8x128xf32, #tpu.memory_space<vmem>>, vector<16xf32>,
    } {sc.loop_unroll_factor = 1 : i64, sc.parallel_access}
    %parallel_loop3A_44 = arith.constant 0 : i32
    %parallel_loop3A_45 = arith.constant 8 : i32
    %parallel_loop3A_46 = arith.constant 1 : i32
    scf.for %parallel_loop3A_59 = %parallel_loop3A_44 to %parallel_loop3A_45 step %parallel_loop3A_46  : i32 {
      %parallel_loop3A_60 = arith.constant 16 : i32
      %parallel_loop3A_61 = arith.muli %parallel_loop3A_59, %parallel_loop3A_60 : i32
      %parallel_loop3A_62 = arith.constant 384 : i32
      %parallel_loop3A_63 = arith.addi %parallel_loop3A_62, %parallel_loop3A_61 : i32
      %parallel_loop3A_64 = arith.index_cast %parallel_loop3A_63 : i32 to index
      %parallel_loop3A_65 = tpu.vector_load %arg7[%parallel_loop3A_64] {strides = array<i32>} : memref<16384xf32, #tpu.memory_space<vmem>>, vector<16xf32>,
      %parallel_loop3A_66 = arith.constant 1024 : i32
      %parallel_loop3A_67 = arith.addi %parallel_loop3A_66, %parallel_loop3A_63 : i32
      %parallel_loop3A_68 = arith.index_cast %parallel_loop3A_67 : i32 to index
      %parallel_loop3A_69 = tpu.vector_load %arg7[%parallel_loop3A_68] {strides = array<i32>} : memref<16384xf32, #tpu.memory_space<vmem>>, vector<16xf32>,
      %parallel_loop3A_70 = arith.addf %parallel_loop3A_65, %parallel_loop3A_69 : vector<16xf32>
      %parallel_loop3A_71 = arith.constant 2048 : i32
      %parallel_loop3A_72 = arith.addi %parallel_loop3A_71, %parallel_loop3A_63 : i32
      %parallel_loop3A_73 = arith.index_cast %parallel_loop3A_72 : i32 to index
      %parallel_loop3A_74 = tpu.vector_load %arg7[%parallel_loop3A_73] {strides = array<i32>} : memref<16384xf32, #tpu.memory_space<vmem>>, vector<16xf32>,
      %parallel_loop3A_75 = arith.addf %parallel_loop3A_70, %parallel_loop3A_74 : vector<16xf32>
      %parallel_loop3A_76 = arith.constant 3072 : i32
      %parallel_loop3A_77 = arith.addi %parallel_loop3A_76, %parallel_loop3A_63 : i32
      %parallel_loop3A_78 = arith.index_cast %parallel_loop3A_77 : i32 to index
      %parallel_loop3A_79 = tpu.vector_load %arg7[%parallel_loop3A_78] {strides = array<i32>} : memref<16384xf32, #tpu.memory_space<vmem>>, vector<16xf32>,
      %parallel_loop3A_80 = arith.addf %parallel_loop3A_75, %parallel_loop3A_79 : vector<16xf32>
      %parallel_loop3A_81 = arith.constant 4096 : i32
      %parallel_loop3A_82 = arith.addi %parallel_loop3A_81, %parallel_loop3A_63 : i32
      %parallel_loop3A_83 = arith.index_cast %parallel_loop3A_82 : i32 to index
      %parallel_loop3A_84 = tpu.vector_load %arg7[%parallel_loop3A_83] {strides = array<i32>} : memref<16384xf32, #tpu.memory_space<vmem>>, vector<16xf32>,
      %parallel_loop3A_85 = arith.addf %parallel_loop3A_80, %parallel_loop3A_84 : vector<16xf32>
      %parallel_loop3A_86 = arith.constant 5120 : i32
      %parallel_loop3A_87 = arith.addi %parallel_loop3A_86, %parallel_loop3A_63 : i32
      %parallel_loop3A_88 = arith.index_cast %parallel_loop3A_87 : i32 to index
      %parallel_loop3A_89 = tpu.vector_load %arg7[%parallel_loop3A_88] {strides = array<i32>} : memref<16384xf32, #tpu.memory_space<vmem>>, vector<16xf32>,
      %parallel_loop3A_90 = arith.addf %parallel_loop3A_85, %parallel_loop3A_89 : vector<16xf32>
      %parallel_loop3A_91 = arith.constant 6144 : i32
      %parallel_loop3A_92 = arith.addi %parallel_loop3A_91, %parallel_loop3A_63 : i32
      %parallel_loop3A_93 = arith.index_cast %parallel_loop3A_92 : i32 to index
      %parallel_loop3A_94 = tpu.vector_load %arg7[%parallel_loop3A_93] {strides = array<i32>} : memref<16384xf32, #tpu.memory_space<vmem>>, vector<16xf32>,
      %parallel_loop3A_95 = arith.addf %parallel_loop3A_90, %parallel_loop3A_94 : vector<16xf32>
      %parallel_loop3A_96 = arith.constant 7168 : i32
      %parallel_loop3A_97 = arith.addi %parallel_loop3A_96, %parallel_loop3A_63 : i32
      %parallel_loop3A_98 = arith.index_cast %parallel_loop3A_97 : i32 to index
      %parallel_loop3A_99 = tpu.vector_load %arg7[%parallel_loop3A_98] {strides = array<i32>} : memref<16384xf32, #tpu.memory_space<vmem>>, vector<16xf32>,
      %parallel_loop3A_100 = arith.addf %parallel_loop3A_95, %parallel_loop3A_99 : vector<16xf32>
      %parallel_loop3A_101 = arith.constant 8192 : i32
      %parallel_loop3A_102 = arith.addi %parallel_loop3A_101, %parallel_loop3A_63 : i32
      %parallel_loop3A_103 = arith.index_cast %parallel_loop3A_102 : i32 to index
      %parallel_loop3A_104 = tpu.vector_load %arg7[%parallel_loop3A_103] {strides = array<i32>} : memref<16384xf32, #tpu.memory_space<vmem>>, vector<16xf32>,
      %parallel_loop3A_105 = arith.addf %parallel_loop3A_100, %parallel_loop3A_104 : vector<16xf32>
      %parallel_loop3A_106 = arith.constant 9216 : i32
      %parallel_loop3A_107 = arith.addi %parallel_loop3A_106, %parallel_loop3A_63 : i32
      %parallel_loop3A_108 = arith.index_cast %parallel_loop3A_107 : i32 to index
      %parallel_loop3A_109 = tpu.vector_load %arg7[%parallel_loop3A_108] {strides = array<i32>} : memref<16384xf32, #tpu.memory_space<vmem>>, vector<16xf32>,
      %parallel_loop3A_110 = arith.addf %parallel_loop3A_105, %parallel_loop3A_109 : vector<16xf32>
      %parallel_loop3A_111 = arith.constant 10240 : i32
      %parallel_loop3A_112 = arith.addi %parallel_loop3A_111, %parallel_loop3A_63 : i32
      %parallel_loop3A_113 = arith.index_cast %parallel_loop3A_112 : i32 to index
      %parallel_loop3A_114 = tpu.vector_load %arg7[%parallel_loop3A_113] {strides = array<i32>} : memref<16384xf32, #tpu.memory_space<vmem>>, vector<16xf32>,
      %parallel_loop3A_115 = arith.addf %parallel_loop3A_110, %parallel_loop3A_114 : vector<16xf32>
      %parallel_loop3A_116 = arith.constant 11264 : i32
      %parallel_loop3A_117 = arith.addi %parallel_loop3A_116, %parallel_loop3A_63 : i32
      %parallel_loop3A_118 = arith.index_cast %parallel_loop3A_117 : i32 to index
      %parallel_loop3A_119 = tpu.vector_load %arg7[%parallel_loop3A_118] {strides = array<i32>} : memref<16384xf32, #tpu.memory_space<vmem>>, vector<16xf32>,
      %parallel_loop3A_120 = arith.addf %parallel_loop3A_115, %parallel_loop3A_119 : vector<16xf32>
      %parallel_loop3A_121 = arith.constant 12288 : i32
      %parallel_loop3A_122 = arith.addi %parallel_loop3A_121, %parallel_loop3A_63 : i32
      %parallel_loop3A_123 = arith.index_cast %parallel_loop3A_122 : i32 to index
      %parallel_loop3A_124 = tpu.vector_load %arg7[%parallel_loop3A_123] {strides = array<i32>} : memref<16384xf32, #tpu.memory_space<vmem>>, vector<16xf32>,
      %parallel_loop3A_125 = arith.addf %parallel_loop3A_120, %parallel_loop3A_124 : vector<16xf32>
      %parallel_loop3A_126 = arith.constant 13312 : i32
      %parallel_loop3A_127 = arith.addi %parallel_loop3A_126, %parallel_loop3A_63 : i32
      %parallel_loop3A_128 = arith.index_cast %parallel_loop3A_127 : i32 to index
      %parallel_loop3A_129 = tpu.vector_load %arg7[%parallel_loop3A_128] {strides = array<i32>} : memref<16384xf32, #tpu.memory_space<vmem>>, vector<16xf32>,
      %parallel_loop3A_130 = arith.addf %parallel_loop3A_125, %parallel_loop3A_129 : vector<16xf32>
      %parallel_loop3A_131 = arith.constant 14336 : i32
      %parallel_loop3A_132 = arith.addi %parallel_loop3A_131, %parallel_loop3A_63 : i32
      %parallel_loop3A_133 = arith.index_cast %parallel_loop3A_132 : i32 to index
      %parallel_loop3A_134 = tpu.vector_load %arg7[%parallel_loop3A_133] {strides = array<i32>} : memref<16384xf32, #tpu.memory_space<vmem>>, vector<16xf32>,
      %parallel_loop3A_135 = arith.addf %parallel_loop3A_130, %parallel_loop3A_134 : vector<16xf32>
      %parallel_loop3A_136 = arith.constant 15360 : i32
      %parallel_loop3A_137 = arith.addi %parallel_loop3A_136, %parallel_loop3A_63 : i32
      %parallel_loop3A_138 = arith.index_cast %parallel_loop3A_137 : i32 to index
      %parallel_loop3A_139 = tpu.vector_load %arg7[%parallel_loop3A_138] {strides = array<i32>} : memref<16384xf32, #tpu.memory_space<vmem>>, vector<16xf32>,
      %parallel_loop3A_140 = arith.addf %parallel_loop3A_135, %parallel_loop3A_139 : vector<16xf32>
      %parallel_loop3A_141 = arith.constant 16 : i32
      %parallel_loop3A_142 = arith.muli %parallel_loop3A_59, %parallel_loop3A_141 : i32
      %parallel_loop3A_143 = arith.constant 3 : i32
      %parallel_loop3A_144 = arith.index_cast %parallel_loop3A_143 : i32 to index
      %parallel_loop3A_145 = arith.index_cast %parallel_loop3A_142 : i32 to index
      %parallel_loop3A_146 = tpu.vector_load %arg8[%parallel_loop3A_144, %parallel_loop3A_145] {strides = array<i32>} : memref<8x128xf32, #tpu.memory_space<vmem>>, vector<16xf32>,
      tpu.vector_store %arg8[%parallel_loop3A_144, %parallel_loop3A_145], %parallel_loop3A_140 {strides = array<i32>} : memref<8x128xf32, #tpu.memory_space<vmem>>, vector<16xf32>,
    } {sc.loop_unroll_factor = 1 : i64, sc.parallel_access}
    %parallel_loop3A_47 = arith.constant 0 : i32
    %parallel_loop3A_48 = arith.constant 8 : i32
    %parallel_loop3A_49 = arith.constant 1 : i32
    scf.for %parallel_loop3A_59 = %parallel_loop3A_47 to %parallel_loop3A_48 step %parallel_loop3A_49  : i32 {
      %parallel_loop3A_60 = arith.constant 16 : i32
      %parallel_loop3A_61 = arith.muli %parallel_loop3A_59, %parallel_loop3A_60 : i32
      %parallel_loop3A_62 = arith.constant 512 : i32
      %parallel_loop3A_63 = arith.addi %parallel_loop3A_62, %parallel_loop3A_61 : i32
      %parallel_loop3A_64 = arith.index_cast %parallel_loop3A_63 : i32 to index
      %parallel_loop3A_65 = tpu.vector_load %arg7[%parallel_loop3A_64] {strides = array<i32>} : memref<16384xf32, #tpu.memory_space<vmem>>, vector<16xf32>,
      %parallel_loop3A_66 = arith.constant 1024 : i32
      %parallel_loop3A_67 = arith.addi %parallel_loop3A_66, %parallel_loop3A_63 : i32
      %parallel_loop3A_68 = arith.index_cast %parallel_loop3A_67 : i32 to index
      %parallel_loop3A_69 = tpu.vector_load %arg7[%parallel_loop3A_68] {strides = array<i32>} : memref<16384xf32, #tpu.memory_space<vmem>>, vector<16xf32>,
      %parallel_loop3A_70 = arith.addf %parallel_loop3A_65, %parallel_loop3A_69 : vector<16xf32>
      %parallel_loop3A_71 = arith.constant 2048 : i32
      %parallel_loop3A_72 = arith.addi %parallel_loop3A_71, %parallel_loop3A_63 : i32
      %parallel_loop3A_73 = arith.index_cast %parallel_loop3A_72 : i32 to index
      %parallel_loop3A_74 = tpu.vector_load %arg7[%parallel_loop3A_73] {strides = array<i32>} : memref<16384xf32, #tpu.memory_space<vmem>>, vector<16xf32>,
      %parallel_loop3A_75 = arith.addf %parallel_loop3A_70, %parallel_loop3A_74 : vector<16xf32>
      %parallel_loop3A_76 = arith.constant 3072 : i32
      %parallel_loop3A_77 = arith.addi %parallel_loop3A_76, %parallel_loop3A_63 : i32
      %parallel_loop3A_78 = arith.index_cast %parallel_loop3A_77 : i32 to index
      %parallel_loop3A_79 = tpu.vector_load %arg7[%parallel_loop3A_78] {strides = array<i32>} : memref<16384xf32, #tpu.memory_space<vmem>>, vector<16xf32>,
      %parallel_loop3A_80 = arith.addf %parallel_loop3A_75, %parallel_loop3A_79 : vector<16xf32>
      %parallel_loop3A_81 = arith.constant 4096 : i32
      %parallel_loop3A_82 = arith.addi %parallel_loop3A_81, %parallel_loop3A_63 : i32
      %parallel_loop3A_83 = arith.index_cast %parallel_loop3A_82 : i32 to index
      %parallel_loop3A_84 = tpu.vector_load %arg7[%parallel_loop3A_83] {strides = array<i32>} : memref<16384xf32, #tpu.memory_space<vmem>>, vector<16xf32>,
      %parallel_loop3A_85 = arith.addf %parallel_loop3A_80, %parallel_loop3A_84 : vector<16xf32>
      %parallel_loop3A_86 = arith.constant 5120 : i32
      %parallel_loop3A_87 = arith.addi %parallel_loop3A_86, %parallel_loop3A_63 : i32
      %parallel_loop3A_88 = arith.index_cast %parallel_loop3A_87 : i32 to index
      %parallel_loop3A_89 = tpu.vector_load %arg7[%parallel_loop3A_88] {strides = array<i32>} : memref<16384xf32, #tpu.memory_space<vmem>>, vector<16xf32>,
      %parallel_loop3A_90 = arith.addf %parallel_loop3A_85, %parallel_loop3A_89 : vector<16xf32>
      %parallel_loop3A_91 = arith.constant 6144 : i32
      %parallel_loop3A_92 = arith.addi %parallel_loop3A_91, %parallel_loop3A_63 : i32
      %parallel_loop3A_93 = arith.index_cast %parallel_loop3A_92 : i32 to index
      %parallel_loop3A_94 = tpu.vector_load %arg7[%parallel_loop3A_93] {strides = array<i32>} : memref<16384xf32, #tpu.memory_space<vmem>>, vector<16xf32>,
      %parallel_loop3A_95 = arith.addf %parallel_loop3A_90, %parallel_loop3A_94 : vector<16xf32>
      %parallel_loop3A_96 = arith.constant 7168 : i32
      %parallel_loop3A_97 = arith.addi %parallel_loop3A_96, %parallel_loop3A_63 : i32
      %parallel_loop3A_98 = arith.index_cast %parallel_loop3A_97 : i32 to index
      %parallel_loop3A_99 = tpu.vector_load %arg7[%parallel_loop3A_98] {strides = array<i32>} : memref<16384xf32, #tpu.memory_space<vmem>>, vector<16xf32>,
      %parallel_loop3A_100 = arith.addf %parallel_loop3A_95, %parallel_loop3A_99 : vector<16xf32>
      %parallel_loop3A_101 = arith.constant 8192 : i32
      %parallel_loop3A_102 = arith.addi %parallel_loop3A_101, %parallel_loop3A_63 : i32
      %parallel_loop3A_103 = arith.index_cast %parallel_loop3A_102 : i32 to index
      %parallel_loop3A_104 = tpu.vector_load %arg7[%parallel_loop3A_103] {strides = array<i32>} : memref<16384xf32, #tpu.memory_space<vmem>>, vector<16xf32>,
      %parallel_loop3A_105 = arith.addf %parallel_loop3A_100, %parallel_loop3A_104 : vector<16xf32>
      %parallel_loop3A_106 = arith.constant 9216 : i32
      %parallel_loop3A_107 = arith.addi %parallel_loop3A_106, %parallel_loop3A_63 : i32
      %parallel_loop3A_108 = arith.index_cast %parallel_loop3A_107 : i32 to index
      %parallel_loop3A_109 = tpu.vector_load %arg7[%parallel_loop3A_108] {strides = array<i32>} : memref<16384xf32, #tpu.memory_space<vmem>>, vector<16xf32>,
      %parallel_loop3A_110 = arith.addf %parallel_loop3A_105, %parallel_loop3A_109 : vector<16xf32>
      %parallel_loop3A_111 = arith.constant 10240 : i32
      %parallel_loop3A_112 = arith.addi %parallel_loop3A_111, %parallel_loop3A_63 : i32
      %parallel_loop3A_113 = arith.index_cast %parallel_loop3A_112 : i32 to index
      %parallel_loop3A_114 = tpu.vector_load %arg7[%parallel_loop3A_113] {strides = array<i32>} : memref<16384xf32, #tpu.memory_space<vmem>>, vector<16xf32>,
      %parallel_loop3A_115 = arith.addf %parallel_loop3A_110, %parallel_loop3A_114 : vector<16xf32>
      %parallel_loop3A_116 = arith.constant 11264 : i32
      %parallel_loop3A_117 = arith.addi %parallel_loop3A_116, %parallel_loop3A_63 : i32
      %parallel_loop3A_118 = arith.index_cast %parallel_loop3A_117 : i32 to index
      %parallel_loop3A_119 = tpu.vector_load %arg7[%parallel_loop3A_118] {strides = array<i32>} : memref<16384xf32, #tpu.memory_space<vmem>>, vector<16xf32>,
      %parallel_loop3A_120 = arith.addf %parallel_loop3A_115, %parallel_loop3A_119 : vector<16xf32>
      %parallel_loop3A_121 = arith.constant 12288 : i32
      %parallel_loop3A_122 = arith.addi %parallel_loop3A_121, %parallel_loop3A_63 : i32
      %parallel_loop3A_123 = arith.index_cast %parallel_loop3A_122 : i32 to index
      %parallel_loop3A_124 = tpu.vector_load %arg7[%parallel_loop3A_123] {strides = array<i32>} : memref<16384xf32, #tpu.memory_space<vmem>>, vector<16xf32>,
      %parallel_loop3A_125 = arith.addf %parallel_loop3A_120, %parallel_loop3A_124 : vector<16xf32>
      %parallel_loop3A_126 = arith.constant 13312 : i32
      %parallel_loop3A_127 = arith.addi %parallel_loop3A_126, %parallel_loop3A_63 : i32
      %parallel_loop3A_128 = arith.index_cast %parallel_loop3A_127 : i32 to index
      %parallel_loop3A_129 = tpu.vector_load %arg7[%parallel_loop3A_128] {strides = array<i32>} : memref<16384xf32, #tpu.memory_space<vmem>>, vector<16xf32>,
      %parallel_loop3A_130 = arith.addf %parallel_loop3A_125, %parallel_loop3A_129 : vector<16xf32>
      %parallel_loop3A_131 = arith.constant 14336 : i32
      %parallel_loop3A_132 = arith.addi %parallel_loop3A_131, %parallel_loop3A_63 : i32
      %parallel_loop3A_133 = arith.index_cast %parallel_loop3A_132 : i32 to index
      %parallel_loop3A_134 = tpu.vector_load %arg7[%parallel_loop3A_133] {strides = array<i32>} : memref<16384xf32, #tpu.memory_space<vmem>>, vector<16xf32>,
      %parallel_loop3A_135 = arith.addf %parallel_loop3A_130, %parallel_loop3A_134 : vector<16xf32>
      %parallel_loop3A_136 = arith.constant 15360 : i32
      %parallel_loop3A_137 = arith.addi %parallel_loop3A_136, %parallel_loop3A_63 : i32
      %parallel_loop3A_138 = arith.index_cast %parallel_loop3A_137 : i32 to index
      %parallel_loop3A_139 = tpu.vector_load %arg7[%parallel_loop3A_138] {strides = array<i32>} : memref<16384xf32, #tpu.memory_space<vmem>>, vector<16xf32>,
      %parallel_loop3A_140 = arith.addf %parallel_loop3A_135, %parallel_loop3A_139 : vector<16xf32>
      %parallel_loop3A_141 = arith.constant 16 : i32
      %parallel_loop3A_142 = arith.muli %parallel_loop3A_59, %parallel_loop3A_141 : i32
      %parallel_loop3A_143 = arith.constant 4 : i32
      %parallel_loop3A_144 = arith.index_cast %parallel_loop3A_143 : i32 to index
      %parallel_loop3A_145 = arith.index_cast %parallel_loop3A_142 : i32 to index
      %parallel_loop3A_146 = tpu.vector_load %arg8[%parallel_loop3A_144, %parallel_loop3A_145] {strides = array<i32>} : memref<8x128xf32, #tpu.memory_space<vmem>>, vector<16xf32>,
      tpu.vector_store %arg8[%parallel_loop3A_144, %parallel_loop3A_145], %parallel_loop3A_140 {strides = array<i32>} : memref<8x128xf32, #tpu.memory_space<vmem>>, vector<16xf32>,
    } {sc.loop_unroll_factor = 1 : i64, sc.parallel_access}
    %parallel_loop3A_50 = arith.constant 0 : i32
    %parallel_loop3A_51 = arith.constant 8 : i32
    %parallel_loop3A_52 = arith.constant 1 : i32
    scf.for %parallel_loop3A_59 = %parallel_loop3A_50 to %parallel_loop3A_51 step %parallel_loop3A_52  : i32 {
      %parallel_loop3A_60 = arith.constant 16 : i32
      %parallel_loop3A_61 = arith.muli %parallel_loop3A_59, %parallel_loop3A_60 : i32
      %parallel_loop3A_62 = arith.constant 640 : i32
      %parallel_loop3A_63 = arith.addi %parallel_loop3A_62, %parallel_loop3A_61 : i32
      %parallel_loop3A_64 = arith.index_cast %parallel_loop3A_63 : i32 to index
      %parallel_loop3A_65 = tpu.vector_load %arg7[%parallel_loop3A_64] {strides = array<i32>} : memref<16384xf32, #tpu.memory_space<vmem>>, vector<16xf32>,
      %parallel_loop3A_66 = arith.constant 1024 : i32
      %parallel_loop3A_67 = arith.addi %parallel_loop3A_66, %parallel_loop3A_63 : i32
      %parallel_loop3A_68 = arith.index_cast %parallel_loop3A_67 : i32 to index
      %parallel_loop3A_69 = tpu.vector_load %arg7[%parallel_loop3A_68] {strides = array<i32>} : memref<16384xf32, #tpu.memory_space<vmem>>, vector<16xf32>,
      %parallel_loop3A_70 = arith.addf %parallel_loop3A_65, %parallel_loop3A_69 : vector<16xf32>
      %parallel_loop3A_71 = arith.constant 2048 : i32
      %parallel_loop3A_72 = arith.addi %parallel_loop3A_71, %parallel_loop3A_63 : i32
      %parallel_loop3A_73 = arith.index_cast %parallel_loop3A_72 : i32 to index
      %parallel_loop3A_74 = tpu.vector_load %arg7[%parallel_loop3A_73] {strides = array<i32>} : memref<16384xf32, #tpu.memory_space<vmem>>, vector<16xf32>,
      %parallel_loop3A_75 = arith.addf %parallel_loop3A_70, %parallel_loop3A_74 : vector<16xf32>
      %parallel_loop3A_76 = arith.constant 3072 : i32
      %parallel_loop3A_77 = arith.addi %parallel_loop3A_76, %parallel_loop3A_63 : i32
      %parallel_loop3A_78 = arith.index_cast %parallel_loop3A_77 : i32 to index
      %parallel_loop3A_79 = tpu.vector_load %arg7[%parallel_loop3A_78] {strides = array<i32>} : memref<16384xf32, #tpu.memory_space<vmem>>, vector<16xf32>,
      %parallel_loop3A_80 = arith.addf %parallel_loop3A_75, %parallel_loop3A_79 : vector<16xf32>
      %parallel_loop3A_81 = arith.constant 4096 : i32
      %parallel_loop3A_82 = arith.addi %parallel_loop3A_81, %parallel_loop3A_63 : i32
      %parallel_loop3A_83 = arith.index_cast %parallel_loop3A_82 : i32 to index
      %parallel_loop3A_84 = tpu.vector_load %arg7[%parallel_loop3A_83] {strides = array<i32>} : memref<16384xf32, #tpu.memory_space<vmem>>, vector<16xf32>,
      %parallel_loop3A_85 = arith.addf %parallel_loop3A_80, %parallel_loop3A_84 : vector<16xf32>
      %parallel_loop3A_86 = arith.constant 5120 : i32
      %parallel_loop3A_87 = arith.addi %parallel_loop3A_86, %parallel_loop3A_63 : i32
      %parallel_loop3A_88 = arith.index_cast %parallel_loop3A_87 : i32 to index
      %parallel_loop3A_89 = tpu.vector_load %arg7[%parallel_loop3A_88] {strides = array<i32>} : memref<16384xf32, #tpu.memory_space<vmem>>, vector<16xf32>,
      %parallel_loop3A_90 = arith.addf %parallel_loop3A_85, %parallel_loop3A_89 : vector<16xf32>
      %parallel_loop3A_91 = arith.constant 6144 : i32
      %parallel_loop3A_92 = arith.addi %parallel_loop3A_91, %parallel_loop3A_63 : i32
      %parallel_loop3A_93 = arith.index_cast %parallel_loop3A_92 : i32 to index
      %parallel_loop3A_94 = tpu.vector_load %arg7[%parallel_loop3A_93] {strides = array<i32>} : memref<16384xf32, #tpu.memory_space<vmem>>, vector<16xf32>,
      %parallel_loop3A_95 = arith.addf %parallel_loop3A_90, %parallel_loop3A_94 : vector<16xf32>
      %parallel_loop3A_96 = arith.constant 7168 : i32
      %parallel_loop3A_97 = arith.addi %parallel_loop3A_96, %parallel_loop3A_63 : i32
      %parallel_loop3A_98 = arith.index_cast %parallel_loop3A_97 : i32 to index
      %parallel_loop3A_99 = tpu.vector_load %arg7[%parallel_loop3A_98] {strides = array<i32>} : memref<16384xf32, #tpu.memory_space<vmem>>, vector<16xf32>,
      %parallel_loop3A_100 = arith.addf %parallel_loop3A_95, %parallel_loop3A_99 : vector<16xf32>
      %parallel_loop3A_101 = arith.constant 8192 : i32
      %parallel_loop3A_102 = arith.addi %parallel_loop3A_101, %parallel_loop3A_63 : i32
      %parallel_loop3A_103 = arith.index_cast %parallel_loop3A_102 : i32 to index
      %parallel_loop3A_104 = tpu.vector_load %arg7[%parallel_loop3A_103] {strides = array<i32>} : memref<16384xf32, #tpu.memory_space<vmem>>, vector<16xf32>,
      %parallel_loop3A_105 = arith.addf %parallel_loop3A_100, %parallel_loop3A_104 : vector<16xf32>
      %parallel_loop3A_106 = arith.constant 9216 : i32
      %parallel_loop3A_107 = arith.addi %parallel_loop3A_106, %parallel_loop3A_63 : i32
      %parallel_loop3A_108 = arith.index_cast %parallel_loop3A_107 : i32 to index
      %parallel_loop3A_109 = tpu.vector_load %arg7[%parallel_loop3A_108] {strides = array<i32>} : memref<16384xf32, #tpu.memory_space<vmem>>, vector<16xf32>,
      %parallel_loop3A_110 = arith.addf %parallel_loop3A_105, %parallel_loop3A_109 : vector<16xf32>
      %parallel_loop3A_111 = arith.constant 10240 : i32
      %parallel_loop3A_112 = arith.addi %parallel_loop3A_111, %parallel_loop3A_63 : i32
      %parallel_loop3A_113 = arith.index_cast %parallel_loop3A_112 : i32 to index
      %parallel_loop3A_114 = tpu.vector_load %arg7[%parallel_loop3A_113] {strides = array<i32>} : memref<16384xf32, #tpu.memory_space<vmem>>, vector<16xf32>,
      %parallel_loop3A_115 = arith.addf %parallel_loop3A_110, %parallel_loop3A_114 : vector<16xf32>
      %parallel_loop3A_116 = arith.constant 11264 : i32
      %parallel_loop3A_117 = arith.addi %parallel_loop3A_116, %parallel_loop3A_63 : i32
      %parallel_loop3A_118 = arith.index_cast %parallel_loop3A_117 : i32 to index
      %parallel_loop3A_119 = tpu.vector_load %arg7[%parallel_loop3A_118] {strides = array<i32>} : memref<16384xf32, #tpu.memory_space<vmem>>, vector<16xf32>,
      %parallel_loop3A_120 = arith.addf %parallel_loop3A_115, %parallel_loop3A_119 : vector<16xf32>
      %parallel_loop3A_121 = arith.constant 12288 : i32
      %parallel_loop3A_122 = arith.addi %parallel_loop3A_121, %parallel_loop3A_63 : i32
      %parallel_loop3A_123 = arith.index_cast %parallel_loop3A_122 : i32 to index
      %parallel_loop3A_124 = tpu.vector_load %arg7[%parallel_loop3A_123] {strides = array<i32>} : memref<16384xf32, #tpu.memory_space<vmem>>, vector<16xf32>,
      %parallel_loop3A_125 = arith.addf %parallel_loop3A_120, %parallel_loop3A_124 : vector<16xf32>
      %parallel_loop3A_126 = arith.constant 13312 : i32
      %parallel_loop3A_127 = arith.addi %parallel_loop3A_126, %parallel_loop3A_63 : i32
      %parallel_loop3A_128 = arith.index_cast %parallel_loop3A_127 : i32 to index
      %parallel_loop3A_129 = tpu.vector_load %arg7[%parallel_loop3A_128] {strides = array<i32>} : memref<16384xf32, #tpu.memory_space<vmem>>, vector<16xf32>,
      %parallel_loop3A_130 = arith.addf %parallel_loop3A_125, %parallel_loop3A_129 : vector<16xf32>
      %parallel_loop3A_131 = arith.constant 14336 : i32
      %parallel_loop3A_132 = arith.addi %parallel_loop3A_131, %parallel_loop3A_63 : i32
      %parallel_loop3A_133 = arith.index_cast %parallel_loop3A_132 : i32 to index
      %parallel_loop3A_134 = tpu.vector_load %arg7[%parallel_loop3A_133] {strides = array<i32>} : memref<16384xf32, #tpu.memory_space<vmem>>, vector<16xf32>,
      %parallel_loop3A_135 = arith.addf %parallel_loop3A_130, %parallel_loop3A_134 : vector<16xf32>
      %parallel_loop3A_136 = arith.constant 15360 : i32
      %parallel_loop3A_137 = arith.addi %parallel_loop3A_136, %parallel_loop3A_63 : i32
      %parallel_loop3A_138 = arith.index_cast %parallel_loop3A_137 : i32 to index
      %parallel_loop3A_139 = tpu.vector_load %arg7[%parallel_loop3A_138] {strides = array<i32>} : memref<16384xf32, #tpu.memory_space<vmem>>, vector<16xf32>,
      %parallel_loop3A_140 = arith.addf %parallel_loop3A_135, %parallel_loop3A_139 : vector<16xf32>
      %parallel_loop3A_141 = arith.constant 16 : i32
      %parallel_loop3A_142 = arith.muli %parallel_loop3A_59, %parallel_loop3A_141 : i32
      %parallel_loop3A_143 = arith.constant 5 : i32
      %parallel_loop3A_144 = arith.index_cast %parallel_loop3A_143 : i32 to index
      %parallel_loop3A_145 = arith.index_cast %parallel_loop3A_142 : i32 to index
      %parallel_loop3A_146 = tpu.vector_load %arg8[%parallel_loop3A_144, %parallel_loop3A_145] {strides = array<i32>} : memref<8x128xf32, #tpu.memory_space<vmem>>, vector<16xf32>,
      tpu.vector_store %arg8[%parallel_loop3A_144, %parallel_loop3A_145], %parallel_loop3A_140 {strides = array<i32>} : memref<8x128xf32, #tpu.memory_space<vmem>>, vector<16xf32>,
    } {sc.loop_unroll_factor = 1 : i64, sc.parallel_access}
    %parallel_loop3A_53 = arith.constant 0 : i32
    %parallel_loop3A_54 = arith.constant 8 : i32
    %parallel_loop3A_55 = arith.constant 1 : i32
    scf.for %parallel_loop3A_59 = %parallel_loop3A_53 to %parallel_loop3A_54 step %parallel_loop3A_55  : i32 {
      %parallel_loop3A_60 = arith.constant 16 : i32
      %parallel_loop3A_61 = arith.muli %parallel_loop3A_59, %parallel_loop3A_60 : i32
      %parallel_loop3A_62 = arith.constant 768 : i32
      %parallel_loop3A_63 = arith.addi %parallel_loop3A_62, %parallel_loop3A_61 : i32
      %parallel_loop3A_64 = arith.index_cast %parallel_loop3A_63 : i32 to index
      %parallel_loop3A_65 = tpu.vector_load %arg7[%parallel_loop3A_64] {strides = array<i32>} : memref<16384xf32, #tpu.memory_space<vmem>>, vector<16xf32>,
      %parallel_loop3A_66 = arith.constant 1024 : i32
      %parallel_loop3A_67 = arith.addi %parallel_loop3A_66, %parallel_loop3A_63 : i32
      %parallel_loop3A_68 = arith.index_cast %parallel_loop3A_67 : i32 to index
      %parallel_loop3A_69 = tpu.vector_load %arg7[%parallel_loop3A_68] {strides = array<i32>} : memref<16384xf32, #tpu.memory_space<vmem>>, vector<16xf32>,
      %parallel_loop3A_70 = arith.addf %parallel_loop3A_65, %parallel_loop3A_69 : vector<16xf32>
      %parallel_loop3A_71 = arith.constant 2048 : i32
      %parallel_loop3A_72 = arith.addi %parallel_loop3A_71, %parallel_loop3A_63 : i32
      %parallel_loop3A_73 = arith.index_cast %parallel_loop3A_72 : i32 to index
      %parallel_loop3A_74 = tpu.vector_load %arg7[%parallel_loop3A_73] {strides = array<i32>} : memref<16384xf32, #tpu.memory_space<vmem>>, vector<16xf32>,
      %parallel_loop3A_75 = arith.addf %parallel_loop3A_70, %parallel_loop3A_74 : vector<16xf32>
      %parallel_loop3A_76 = arith.constant 3072 : i32
      %parallel_loop3A_77 = arith.addi %parallel_loop3A_76, %parallel_loop3A_63 : i32
      %parallel_loop3A_78 = arith.index_cast %parallel_loop3A_77 : i32 to index
      %parallel_loop3A_79 = tpu.vector_load %arg7[%parallel_loop3A_78] {strides = array<i32>} : memref<16384xf32, #tpu.memory_space<vmem>>, vector<16xf32>,
      %parallel_loop3A_80 = arith.addf %parallel_loop3A_75, %parallel_loop3A_79 : vector<16xf32>
      %parallel_loop3A_81 = arith.constant 4096 : i32
      %parallel_loop3A_82 = arith.addi %parallel_loop3A_81, %parallel_loop3A_63 : i32
      %parallel_loop3A_83 = arith.index_cast %parallel_loop3A_82 : i32 to index
      %parallel_loop3A_84 = tpu.vector_load %arg7[%parallel_loop3A_83] {strides = array<i32>} : memref<16384xf32, #tpu.memory_space<vmem>>, vector<16xf32>,
      %parallel_loop3A_85 = arith.addf %parallel_loop3A_80, %parallel_loop3A_84 : vector<16xf32>
      %parallel_loop3A_86 = arith.constant 5120 : i32
      %parallel_loop3A_87 = arith.addi %parallel_loop3A_86, %parallel_loop3A_63 : i32
      %parallel_loop3A_88 = arith.index_cast %parallel_loop3A_87 : i32 to index
      %parallel_loop3A_89 = tpu.vector_load %arg7[%parallel_loop3A_88] {strides = array<i32>} : memref<16384xf32, #tpu.memory_space<vmem>>, vector<16xf32>,
      %parallel_loop3A_90 = arith.addf %parallel_loop3A_85, %parallel_loop3A_89 : vector<16xf32>
      %parallel_loop3A_91 = arith.constant 6144 : i32
      %parallel_loop3A_92 = arith.addi %parallel_loop3A_91, %parallel_loop3A_63 : i32
      %parallel_loop3A_93 = arith.index_cast %parallel_loop3A_92 : i32 to index
      %parallel_loop3A_94 = tpu.vector_load %arg7[%parallel_loop3A_93] {strides = array<i32>} : memref<16384xf32, #tpu.memory_space<vmem>>, vector<16xf32>,
      %parallel_loop3A_95 = arith.addf %parallel_loop3A_90, %parallel_loop3A_94 : vector<16xf32>
      %parallel_loop3A_96 = arith.constant 7168 : i32
      %parallel_loop3A_97 = arith.addi %parallel_loop3A_96, %parallel_loop3A_63 : i32
      %parallel_loop3A_98 = arith.index_cast %parallel_loop3A_97 : i32 to index
      %parallel_loop3A_99 = tpu.vector_load %arg7[%parallel_loop3A_98] {strides = array<i32>} : memref<16384xf32, #tpu.memory_space<vmem>>, vector<16xf32>,
      %parallel_loop3A_100 = arith.addf %parallel_loop3A_95, %parallel_loop3A_99 : vector<16xf32>
      %parallel_loop3A_101 = arith.constant 8192 : i32
      %parallel_loop3A_102 = arith.addi %parallel_loop3A_101, %parallel_loop3A_63 : i32
      %parallel_loop3A_103 = arith.index_cast %parallel_loop3A_102 : i32 to index
      %parallel_loop3A_104 = tpu.vector_load %arg7[%parallel_loop3A_103] {strides = array<i32>} : memref<16384xf32, #tpu.memory_space<vmem>>, vector<16xf32>,
      %parallel_loop3A_105 = arith.addf %parallel_loop3A_100, %parallel_loop3A_104 : vector<16xf32>
      %parallel_loop3A_106 = arith.constant 9216 : i32
      %parallel_loop3A_107 = arith.addi %parallel_loop3A_106, %parallel_loop3A_63 : i32
      %parallel_loop3A_108 = arith.index_cast %parallel_loop3A_107 : i32 to index
      %parallel_loop3A_109 = tpu.vector_load %arg7[%parallel_loop3A_108] {strides = array<i32>} : memref<16384xf32, #tpu.memory_space<vmem>>, vector<16xf32>,
      %parallel_loop3A_110 = arith.addf %parallel_loop3A_105, %parallel_loop3A_109 : vector<16xf32>
      %parallel_loop3A_111 = arith.constant 10240 : i32
      %parallel_loop3A_112 = arith.addi %parallel_loop3A_111, %parallel_loop3A_63 : i32
      %parallel_loop3A_113 = arith.index_cast %parallel_loop3A_112 : i32 to index
      %parallel_loop3A_114 = tpu.vector_load %arg7[%parallel_loop3A_113] {strides = array<i32>} : memref<16384xf32, #tpu.memory_space<vmem>>, vector<16xf32>,
      %parallel_loop3A_115 = arith.addf %parallel_loop3A_110, %parallel_loop3A_114 : vector<16xf32>
      %parallel_loop3A_116 = arith.constant 11264 : i32
      %parallel_loop3A_117 = arith.addi %parallel_loop3A_116, %parallel_loop3A_63 : i32
      %parallel_loop3A_118 = arith.index_cast %parallel_loop3A_117 : i32 to index
      %parallel_loop3A_119 = tpu.vector_load %arg7[%parallel_loop3A_118] {strides = array<i32>} : memref<16384xf32, #tpu.memory_space<vmem>>, vector<16xf32>,
      %parallel_loop3A_120 = arith.addf %parallel_loop3A_115, %parallel_loop3A_119 : vector<16xf32>
      %parallel_loop3A_121 = arith.constant 12288 : i32
      %parallel_loop3A_122 = arith.addi %parallel_loop3A_121, %parallel_loop3A_63 : i32
      %parallel_loop3A_123 = arith.index_cast %parallel_loop3A_122 : i32 to index
      %parallel_loop3A_124 = tpu.vector_load %arg7[%parallel_loop3A_123] {strides = array<i32>} : memref<16384xf32, #tpu.memory_space<vmem>>, vector<16xf32>,
      %parallel_loop3A_125 = arith.addf %parallel_loop3A_120, %parallel_loop3A_124 : vector<16xf32>
      %parallel_loop3A_126 = arith.constant 13312 : i32
      %parallel_loop3A_127 = arith.addi %parallel_loop3A_126, %parallel_loop3A_63 : i32
      %parallel_loop3A_128 = arith.index_cast %parallel_loop3A_127 : i32 to index
      %parallel_loop3A_129 = tpu.vector_load %arg7[%parallel_loop3A_128] {strides = array<i32>} : memref<16384xf32, #tpu.memory_space<vmem>>, vector<16xf32>,
      %parallel_loop3A_130 = arith.addf %parallel_loop3A_125, %parallel_loop3A_129 : vector<16xf32>
      %parallel_loop3A_131 = arith.constant 14336 : i32
      %parallel_loop3A_132 = arith.addi %parallel_loop3A_131, %parallel_loop3A_63 : i32
      %parallel_loop3A_133 = arith.index_cast %parallel_loop3A_132 : i32 to index
      %parallel_loop3A_134 = tpu.vector_load %arg7[%parallel_loop3A_133] {strides = array<i32>} : memref<16384xf32, #tpu.memory_space<vmem>>, vector<16xf32>,
      %parallel_loop3A_135 = arith.addf %parallel_loop3A_130, %parallel_loop3A_134 : vector<16xf32>
      %parallel_loop3A_136 = arith.constant 15360 : i32
      %parallel_loop3A_137 = arith.addi %parallel_loop3A_136, %parallel_loop3A_63 : i32
      %parallel_loop3A_138 = arith.index_cast %parallel_loop3A_137 : i32 to index
      %parallel_loop3A_139 = tpu.vector_load %arg7[%parallel_loop3A_138] {strides = array<i32>} : memref<16384xf32, #tpu.memory_space<vmem>>, vector<16xf32>,
      %parallel_loop3A_140 = arith.addf %parallel_loop3A_135, %parallel_loop3A_139 : vector<16xf32>
      %parallel_loop3A_141 = arith.constant 16 : i32
      %parallel_loop3A_142 = arith.muli %parallel_loop3A_59, %parallel_loop3A_141 : i32
      %parallel_loop3A_143 = arith.constant 6 : i32
      %parallel_loop3A_144 = arith.index_cast %parallel_loop3A_143 : i32 to index
      %parallel_loop3A_145 = arith.index_cast %parallel_loop3A_142 : i32 to index
      %parallel_loop3A_146 = tpu.vector_load %arg8[%parallel_loop3A_144, %parallel_loop3A_145] {strides = array<i32>} : memref<8x128xf32, #tpu.memory_space<vmem>>, vector<16xf32>,
      tpu.vector_store %arg8[%parallel_loop3A_144, %parallel_loop3A_145], %parallel_loop3A_140 {strides = array<i32>} : memref<8x128xf32, #tpu.memory_space<vmem>>, vector<16xf32>,
    } {sc.loop_unroll_factor = 1 : i64, sc.parallel_access}
    %parallel_loop3A_56 = arith.constant 0 : i32
    %parallel_loop3A_57 = arith.constant 8 : i32
    %parallel_loop3A_58 = arith.constant 1 : i32
    scf.for %parallel_loop3A_59 = %parallel_loop3A_56 to %parallel_loop3A_57 step %parallel_loop3A_58  : i32 {
      %parallel_loop3A_60 = arith.constant 16 : i32
      %parallel_loop3A_61 = arith.muli %parallel_loop3A_59, %parallel_loop3A_60 : i32
      %parallel_loop3A_62 = arith.constant 896 : i32
      %parallel_loop3A_63 = arith.addi %parallel_loop3A_62, %parallel_loop3A_61 : i32
      %parallel_loop3A_64 = arith.index_cast %parallel_loop3A_63 : i32 to index
      %parallel_loop3A_65 = tpu.vector_load %arg7[%parallel_loop3A_64] {strides = array<i32>} : memref<16384xf32, #tpu.memory_space<vmem>>, vector<16xf32>,
      %parallel_loop3A_66 = arith.constant 1024 : i32
      %parallel_loop3A_67 = arith.addi %parallel_loop3A_66, %parallel_loop3A_63 : i32
      %parallel_loop3A_68 = arith.index_cast %parallel_loop3A_67 : i32 to index
      %parallel_loop3A_69 = tpu.vector_load %arg7[%parallel_loop3A_68] {strides = array<i32>} : memref<16384xf32, #tpu.memory_space<vmem>>, vector<16xf32>,
      %parallel_loop3A_70 = arith.addf %parallel_loop3A_65, %parallel_loop3A_69 : vector<16xf32>
      %parallel_loop3A_71 = arith.constant 2048 : i32
      %parallel_loop3A_72 = arith.addi %parallel_loop3A_71, %parallel_loop3A_63 : i32
      %parallel_loop3A_73 = arith.index_cast %parallel_loop3A_72 : i32 to index
      %parallel_loop3A_74 = tpu.vector_load %arg7[%parallel_loop3A_73] {strides = array<i32>} : memref<16384xf32, #tpu.memory_space<vmem>>, vector<16xf32>,
      %parallel_loop3A_75 = arith.addf %parallel_loop3A_70, %parallel_loop3A_74 : vector<16xf32>
      %parallel_loop3A_76 = arith.constant 3072 : i32
      %parallel_loop3A_77 = arith.addi %parallel_loop3A_76, %parallel_loop3A_63 : i32
      %parallel_loop3A_78 = arith.index_cast %parallel_loop3A_77 : i32 to index
      %parallel_loop3A_79 = tpu.vector_load %arg7[%parallel_loop3A_78] {strides = array<i32>} : memref<16384xf32, #tpu.memory_space<vmem>>, vector<16xf32>,
      %parallel_loop3A_80 = arith.addf %parallel_loop3A_75, %parallel_loop3A_79 : vector<16xf32>
      %parallel_loop3A_81 = arith.constant 4096 : i32
      %parallel_loop3A_82 = arith.addi %parallel_loop3A_81, %parallel_loop3A_63 : i32
      %parallel_loop3A_83 = arith.index_cast %parallel_loop3A_82 : i32 to index
      %parallel_loop3A_84 = tpu.vector_load %arg7[%parallel_loop3A_83] {strides = array<i32>} : memref<16384xf32, #tpu.memory_space<vmem>>, vector<16xf32>,
      %parallel_loop3A_85 = arith.addf %parallel_loop3A_80, %parallel_loop3A_84 : vector<16xf32>
      %parallel_loop3A_86 = arith.constant 5120 : i32
      %parallel_loop3A_87 = arith.addi %parallel_loop3A_86, %parallel_loop3A_63 : i32
      %parallel_loop3A_88 = arith.index_cast %parallel_loop3A_87 : i32 to index
      %parallel_loop3A_89 = tpu.vector_load %arg7[%parallel_loop3A_88] {strides = array<i32>} : memref<16384xf32, #tpu.memory_space<vmem>>, vector<16xf32>,
      %parallel_loop3A_90 = arith.addf %parallel_loop3A_85, %parallel_loop3A_89 : vector<16xf32>
      %parallel_loop3A_91 = arith.constant 6144 : i32
      %parallel_loop3A_92 = arith.addi %parallel_loop3A_91, %parallel_loop3A_63 : i32
      %parallel_loop3A_93 = arith.index_cast %parallel_loop3A_92 : i32 to index
      %parallel_loop3A_94 = tpu.vector_load %arg7[%parallel_loop3A_93] {strides = array<i32>} : memref<16384xf32, #tpu.memory_space<vmem>>, vector<16xf32>,
      %parallel_loop3A_95 = arith.addf %parallel_loop3A_90, %parallel_loop3A_94 : vector<16xf32>
      %parallel_loop3A_96 = arith.constant 7168 : i32
      %parallel_loop3A_97 = arith.addi %parallel_loop3A_96, %parallel_loop3A_63 : i32
      %parallel_loop3A_98 = arith.index_cast %parallel_loop3A_97 : i32 to index
      %parallel_loop3A_99 = tpu.vector_load %arg7[%parallel_loop3A_98] {strides = array<i32>} : memref<16384xf32, #tpu.memory_space<vmem>>, vector<16xf32>,
      %parallel_loop3A_100 = arith.addf %parallel_loop3A_95, %parallel_loop3A_99 : vector<16xf32>
      %parallel_loop3A_101 = arith.constant 8192 : i32
      %parallel_loop3A_102 = arith.addi %parallel_loop3A_101, %parallel_loop3A_63 : i32
      %parallel_loop3A_103 = arith.index_cast %parallel_loop3A_102 : i32 to index
      %parallel_loop3A_104 = tpu.vector_load %arg7[%parallel_loop3A_103] {strides = array<i32>} : memref<16384xf32, #tpu.memory_space<vmem>>, vector<16xf32>,
      %parallel_loop3A_105 = arith.addf %parallel_loop3A_100, %parallel_loop3A_104 : vector<16xf32>
      %parallel_loop3A_106 = arith.constant 9216 : i32
      %parallel_loop3A_107 = arith.addi %parallel_loop3A_106, %parallel_loop3A_63 : i32
      %parallel_loop3A_108 = arith.index_cast %parallel_loop3A_107 : i32 to index
      %parallel_loop3A_109 = tpu.vector_load %arg7[%parallel_loop3A_108] {strides = array<i32>} : memref<16384xf32, #tpu.memory_space<vmem>>, vector<16xf32>,
      %parallel_loop3A_110 = arith.addf %parallel_loop3A_105, %parallel_loop3A_109 : vector<16xf32>
      %parallel_loop3A_111 = arith.constant 10240 : i32
      %parallel_loop3A_112 = arith.addi %parallel_loop3A_111, %parallel_loop3A_63 : i32
      %parallel_loop3A_113 = arith.index_cast %parallel_loop3A_112 : i32 to index
      %parallel_loop3A_114 = tpu.vector_load %arg7[%parallel_loop3A_113] {strides = array<i32>} : memref<16384xf32, #tpu.memory_space<vmem>>, vector<16xf32>,
      %parallel_loop3A_115 = arith.addf %parallel_loop3A_110, %parallel_loop3A_114 : vector<16xf32>
      %parallel_loop3A_116 = arith.constant 11264 : i32
      %parallel_loop3A_117 = arith.addi %parallel_loop3A_116, %parallel_loop3A_63 : i32
      %parallel_loop3A_118 = arith.index_cast %parallel_loop3A_117 : i32 to index
      %parallel_loop3A_119 = tpu.vector_load %arg7[%parallel_loop3A_118] {strides = array<i32>} : memref<16384xf32, #tpu.memory_space<vmem>>, vector<16xf32>,
      %parallel_loop3A_120 = arith.addf %parallel_loop3A_115, %parallel_loop3A_119 : vector<16xf32>
      %parallel_loop3A_121 = arith.constant 12288 : i32
      %parallel_loop3A_122 = arith.addi %parallel_loop3A_121, %parallel_loop3A_63 : i32
      %parallel_loop3A_123 = arith.index_cast %parallel_loop3A_122 : i32 to index
      %parallel_loop3A_124 = tpu.vector_load %arg7[%parallel_loop3A_123] {strides = array<i32>} : memref<16384xf32, #tpu.memory_space<vmem>>, vector<16xf32>,
      %parallel_loop3A_125 = arith.addf %parallel_loop3A_120, %parallel_loop3A_124 : vector<16xf32>
      %parallel_loop3A_126 = arith.constant 13312 : i32
      %parallel_loop3A_127 = arith.addi %parallel_loop3A_126, %parallel_loop3A_63 : i32
      %parallel_loop3A_128 = arith.index_cast %parallel_loop3A_127 : i32 to index
      %parallel_loop3A_129 = tpu.vector_load %arg7[%parallel_loop3A_128] {strides = array<i32>} : memref<16384xf32, #tpu.memory_space<vmem>>, vector<16xf32>,
      %parallel_loop3A_130 = arith.addf %parallel_loop3A_125, %parallel_loop3A_129 : vector<16xf32>
      %parallel_loop3A_131 = arith.constant 14336 : i32
      %parallel_loop3A_132 = arith.addi %parallel_loop3A_131, %parallel_loop3A_63 : i32
      %parallel_loop3A_133 = arith.index_cast %parallel_loop3A_132 : i32 to index
      %parallel_loop3A_134 = tpu.vector_load %arg7[%parallel_loop3A_133] {strides = array<i32>} : memref<16384xf32, #tpu.memory_space<vmem>>, vector<16xf32>,
      %parallel_loop3A_135 = arith.addf %parallel_loop3A_130, %parallel_loop3A_134 : vector<16xf32>
      %parallel_loop3A_136 = arith.constant 15360 : i32
      %parallel_loop3A_137 = arith.addi %parallel_loop3A_136, %parallel_loop3A_63 : i32
      %parallel_loop3A_138 = arith.index_cast %parallel_loop3A_137 : i32 to index
      %parallel_loop3A_139 = tpu.vector_load %arg7[%parallel_loop3A_138] {strides = array<i32>} : memref<16384xf32, #tpu.memory_space<vmem>>, vector<16xf32>,
      %parallel_loop3A_140 = arith.addf %parallel_loop3A_135, %parallel_loop3A_139 : vector<16xf32>
      %parallel_loop3A_141 = arith.constant 16 : i32
      %parallel_loop3A_142 = arith.muli %parallel_loop3A_59, %parallel_loop3A_141 : i32
      %parallel_loop3A_143 = arith.constant 7 : i32
      %parallel_loop3A_144 = arith.index_cast %parallel_loop3A_143 : i32 to index
      %parallel_loop3A_145 = arith.index_cast %parallel_loop3A_142 : i32 to index
      %parallel_loop3A_146 = tpu.vector_load %arg8[%parallel_loop3A_144, %parallel_loop3A_145] {strides = array<i32>} : memref<8x128xf32, #tpu.memory_space<vmem>>, vector<16xf32>,
      tpu.vector_store %arg8[%parallel_loop3A_144, %parallel_loop3A_145], %parallel_loop3A_140 {strides = array<i32>} : memref<8x128xf32, #tpu.memory_space<vmem>>, vector<16xf32>,
    } {sc.loop_unroll_factor = 1 : i64, sc.parallel_access}
    "tpu.region"() ({
      %run_scoped3A = tpu.sem_alloc : memref<!tpu.dma_semaphore, #tpu.memory_space<semaphore_mem>>
      %dma_start3A_59 = arith.constant 0 : i32
      %dma_start3A_60 = arith.constant 0 : i32
      %dma_start3A_61 = tpu.memref_slice %arg4[%add3A, %dma_start3A_59, %dma_start3A_60] : memref<32x8x128xf32, #tpu.memory_space<hbm>> -> memref<1x8x128xf32, #tpu.memory_space<hbm>>
      %dma_start3A_62 = tpu.memref_squeeze %dma_start3A_61 : memref<1x8x128xf32, #tpu.memory_space<hbm>> -> memref<8x128xf32, #tpu.memory_space<hbm>>
      %dma_start3A_63 = arith.constant 0 : i32
      %dma_start3A_64 = arith.constant 0 : i32
      %dma_start3A_65 = tpu.memref_slice %arg4[%add3A, %dma_start3A_63, %dma_start3A_64] : memref<32x8x128xf32, #tpu.memory_space<hbm>> -> memref<1x8x128xf32, #tpu.memory_space<hbm>>
      %dma_start3A_66 = tpu.memref_squeeze %dma_start3A_65 : memref<1x8x128xf32, #tpu.memory_space<hbm>> -> memref<8x128xf32, #tpu.memory_space<hbm>>
      tpu.enqueue_dma source(%arg8 : memref<8x128xf32, #tpu.memory_space<vmem>>) target(%dma_start3A_66 : memref<8x128xf32, #tpu.memory_space<hbm>>) target_semaphore(%run_scoped3A : memref<!tpu.dma_semaphore, #tpu.memory_space<semaphore_mem>>)
      %dma_wait3A = arith.constant 0 : i32
      %dma_wait3A_67 = arith.constant 0 : i32
      %dma_wait3A_68 = tpu.memref_slice %arg4[%add3A, %dma_wait3A, %dma_wait3A_67] : memref<32x8x128xf32, #tpu.memory_space<hbm>> -> memref<1x8x128xf32, #tpu.memory_space<hbm>>
      %dma_wait3A_69 = tpu.memref_squeeze %dma_wait3A_68 : memref<1x8x128xf32, #tpu.memory_space<hbm>> -> memref<8x128xf32, #tpu.memory_space<hbm>>
      %dma_wait3A_70 = arith.constant 0 : i32
      %dma_wait3A_71 = arith.constant 0 : i32
      %dma_wait3A_72 = tpu.memref_slice %arg4[%add3A, %dma_wait3A_70, %dma_wait3A_71] : memref<32x8x128xf32, #tpu.memory_space<hbm>> -> memref<1x8x128xf32, #tpu.memory_space<hbm>>
      %dma_wait3A_73 = tpu.memref_squeeze %dma_wait3A_72 : memref<1x8x128xf32, #tpu.memory_space<hbm>> -> memref<8x128xf32, #tpu.memory_space<hbm>>
      tpu.wait_dma2 semaphore(%run_scoped3A : memref<!tpu.dma_semaphore, #tpu.memory_space<semaphore_mem>>) src(%arg8 : memref<8x128xf32, #tpu.memory_space<vmem>>) dst(%dma_wait3A_73 : memref<8x128xf32, #tpu.memory_space<hbm>>)
      tpu.yield
    }) : () -> ()
    return
  }
}

module attributes {stable_mosaic.version = 14 : i64} {
  func.func @_tc_finish_body(%arg0: memref<32x8x128xf32, #tpu.memory_space<vmem>>, %arg1: memref<16x7x16xf32, #tpu.memory_space<vmem>>, %arg2: memref<7x16xf32, #tpu.memory_space<vmem>>, %arg3: memref<16xf32, #tpu.memory_space<vmem>>, %arg4: memref<16x16x8xf32, #tpu.memory_space<vmem>>, %arg5: memref<16x8xf32, #tpu.memory_space<vmem>>, %arg6: memref<8xf32, #tpu.memory_space<vmem>>, %arg7: memref<7x8xf32, #tpu.memory_space<vmem>>) attributes {dimension_semantics = [], scalar_prefetch = 0 : i64, scratch_operands = 0 : i64, tpu.core_type = #tpu.core_type<tc>} {
    %get3A = arith.constant 0 : index
    %get3A_0 = arith.constant 0 : index
    %get3A_1 = arith.constant 0 : index
    %get3A_2 = vector.load %arg0[%get3A, %get3A_0, %get3A_1] : memref<32x8x128xf32, #tpu.memory_space<vmem>>, vector<32x8x128xf32>
    %reduce_sum3A = arith.constant dense<0.000000e+00> : vector<8x128xf32>
    %reduce_sum3A_3 = vector.multi_reduction <add>, %get3A_2, %reduce_sum3A [0] : vector<32x8x128xf32> to vector<8x128xf32>
    %iota3A = tpu.iota {dimensions = array<i32: 0>} : vector<128x16xi32>
    %jit3A = arith.constant 8 : i32
    %div3A = vector.broadcast %jit3A : i32 to vector<128x16xi32>
    %div3A_4 = arith.divsi %iota3A, %div3A : vector<128x16xi32>
    %sign3A = arith.constant 0 : i32
    %sign3A_5 = vector.broadcast %sign3A : i32 to vector<128x16xi32>
    %sign3A_6 = arith.cmpi sgt, %iota3A, %sign3A_5 : vector<128x16xi32>
    %sign3A_7 = arith.extui %sign3A_6 : vector<128x16xi1> to vector<128x16xi32>
    %sign3A_8 = arith.constant 0 : i32
    %sign3A_9 = vector.broadcast %sign3A_8 : i32 to vector<128x16xi32>
    %sign3A_10 = arith.cmpi slt, %iota3A, %sign3A_9 : vector<128x16xi32>
    %sign3A_11 = arith.extui %sign3A_10 : vector<128x16xi1> to vector<128x16xi32>
    %sign3A_12 = arith.subi %sign3A_7, %sign3A_11 : vector<128x16xi32>
    %sign3A_13 = arith.constant 0 : i32
    %sign3A_14 = arith.cmpi sgt, %jit3A, %sign3A_13 : i32
    %sign3A_15 = arith.extui %sign3A_14 : i1 to i32
    %sign3A_16 = arith.constant 0 : i32
    %sign3A_17 = arith.cmpi slt, %jit3A, %sign3A_16 : i32
    %sign3A_18 = arith.extui %sign3A_17 : i1 to i32
    %sign3A_19 = arith.subi %sign3A_15, %sign3A_18 : i32
    %ne3A = vector.broadcast %sign3A_19 : i32 to vector<128x16xi32>
    %ne3A_20 = arith.cmpi ne, %sign3A_12, %ne3A : vector<128x16xi32>
    %rem3A = vector.broadcast %jit3A : i32 to vector<128x16xi32>
    %rem3A_21 = arith.remsi %iota3A, %rem3A : vector<128x16xi32>
    %ne3A_22 = arith.constant 0 : i32
    %ne3A_23 = vector.broadcast %ne3A_22 : i32 to vector<128x16xi32>
    %ne3A_24 = arith.cmpi ne, %rem3A_21, %ne3A_23 : vector<128x16xi32>
    %and3A = arith.andi %ne3A_20, %ne3A_24 : vector<128x16xi1>
    %sub3A = arith.constant 1 : i32
    %sub3A_25 = vector.broadcast %sub3A : i32 to vector<128x16xi32>
    %sub3A_26 = arith.subi %div3A_4, %sub3A_25 : vector<128x16xi32>
    %select_n3A = arith.select %and3A, %sub3A_26, %div3A_4 : vector<128x16xi1>, vector<128x16xi32>
    %iota3A_27 = tpu.iota {dimensions = array<i32: 1>} : vector<128x16xi32>
    %eq3A = arith.cmpi eq, %select_n3A, %iota3A_27 : vector<128x16xi32>
    %convert_element_type3A = arith.extui %eq3A : vector<128x16xi1> to vector<128x16xi32>
    %convert_element_type3A_28 = arith.sitofp %convert_element_type3A : vector<128x16xi32> to vector<128x16xf32>
    %iota3A_29 = tpu.iota {dimensions = array<i32: 1>} : vector<16x128xi32>
    %jit3A_30 = arith.constant 8 : i32
    %div3A_31 = vector.broadcast %jit3A_30 : i32 to vector<16x128xi32>
    %div3A_32 = arith.divsi %iota3A_29, %div3A_31 : vector<16x128xi32>
    %sign3A_33 = arith.constant 0 : i32
    %sign3A_34 = vector.broadcast %sign3A_33 : i32 to vector<16x128xi32>
    %sign3A_35 = arith.cmpi sgt, %iota3A_29, %sign3A_34 : vector<16x128xi32>
    %sign3A_36 = arith.extui %sign3A_35 : vector<16x128xi1> to vector<16x128xi32>
    %sign3A_37 = arith.constant 0 : i32
    %sign3A_38 = vector.broadcast %sign3A_37 : i32 to vector<16x128xi32>
    %sign3A_39 = arith.cmpi slt, %iota3A_29, %sign3A_38 : vector<16x128xi32>
    %sign3A_40 = arith.extui %sign3A_39 : vector<16x128xi1> to vector<16x128xi32>
    %sign3A_41 = arith.subi %sign3A_36, %sign3A_40 : vector<16x128xi32>
    %sign3A_42 = arith.constant 0 : i32
    %sign3A_43 = arith.cmpi sgt, %jit3A_30, %sign3A_42 : i32
    %sign3A_44 = arith.extui %sign3A_43 : i1 to i32
    %sign3A_45 = arith.constant 0 : i32
    %sign3A_46 = arith.cmpi slt, %jit3A_30, %sign3A_45 : i32
    %sign3A_47 = arith.extui %sign3A_46 : i1 to i32
    %sign3A_48 = arith.subi %sign3A_44, %sign3A_47 : i32
    %ne3A_49 = vector.broadcast %sign3A_48 : i32 to vector<16x128xi32>
    %ne3A_50 = arith.cmpi ne, %sign3A_41, %ne3A_49 : vector<16x128xi32>
    %rem3A_51 = vector.broadcast %jit3A_30 : i32 to vector<16x128xi32>
    %rem3A_52 = arith.remsi %iota3A_29, %rem3A_51 : vector<16x128xi32>
    %ne3A_53 = arith.constant 0 : i32
    %ne3A_54 = vector.broadcast %ne3A_53 : i32 to vector<16x128xi32>
    %ne3A_55 = arith.cmpi ne, %rem3A_52, %ne3A_54 : vector<16x128xi32>
    %and3A_56 = arith.andi %ne3A_50, %ne3A_55 : vector<16x128xi1>
    %sub3A_57 = arith.constant 1 : i32
    %sub3A_58 = vector.broadcast %sub3A_57 : i32 to vector<16x128xi32>
    %sub3A_59 = arith.subi %div3A_32, %sub3A_58 : vector<16x128xi32>
    %select_n3A_60 = arith.select %and3A_56, %sub3A_59, %div3A_32 : vector<16x128xi1>, vector<16x128xi32>
    %iota3A_61 = tpu.iota {dimensions = array<i32: 0>} : vector<16x128xi32>
    %eq3A_62 = arith.cmpi eq, %select_n3A_60, %iota3A_61 : vector<16x128xi32>
    %convert_element_type3A_63 = arith.extui %eq3A_62 : vector<16x128xi1> to vector<16x128xi32>
    %convert_element_type3A_64 = arith.sitofp %convert_element_type3A_63 : vector<16x128xi32> to vector<16x128xf32>
    %dot_general3A = arith.constant dense<0.000000e+00> : vector<8x16xf32>
    %dot_general3A_65 = tpu.matmul %reduce_sum3A_3, %convert_element_type3A_28, %dot_general3A {dimension_numbers = #tpu.dot_dimension_numbers<[1], [0], [0], [1], [0, 0, 1, 1], [], []>, transpose_lhs_hint = false} : vector<8x128xf32>, vector<128x16xf32>, vector<8x16xf32> -> vector<8x16xf32>
    %dot_general3A_66 = arith.constant dense<0.000000e+00> : vector<8x128xf32>
    %dot_general3A_67 = tpu.matmul %dot_general3A_65, %convert_element_type3A_64, %dot_general3A_66 {dimension_numbers = #tpu.dot_dimension_numbers<[1], [0], [0], [1], [0, 0, 1, 1], [], []>, transpose_lhs_hint = false} : vector<8x16xf32>, vector<16x128xf32>, vector<8x128xf32> -> vector<8x128xf32>
    %max3A = arith.constant 1.000000e+00 : f32
    %max3A_68 = vector.broadcast %max3A : f32 to vector<8x128xf32>
    %max3A_69 = arith.maximumf %dot_general3A_67, %max3A_68 : vector<8x128xf32>
    %div3A_70 = arith.divf %reduce_sum3A_3, %max3A_69 : vector<8x128xf32>
    %slice3A = vector.extract_strided_slice %div3A_70 {offsets = [0, 0], sizes = [7, 128], strides = [1, 1]} : vector<8x128xf32> to vector<7x128xf32>
    %get3A_71 = arith.constant 0 : index
    %get3A_72 = arith.constant 0 : index
    %get3A_73 = arith.constant 0 : index
    %get3A_74 = vector.load %arg1[%get3A_71, %get3A_72, %get3A_73] : memref<16x7x16xf32, #tpu.memory_space<vmem>>, vector<16x7x16xf32>
    %broadcast_in_dim3A = arith.constant 0.000000e+00 : f32
    %broadcast_in_dim3A_75 = vector.broadcast %broadcast_in_dim3A : f32 to vector<16x1x16xf32>
    %concatenate3A = tpu.concatenate %get3A_74, %broadcast_in_dim3A_75 in 1 : vector<16x7x16xf32>, vector<16x1x16xf32> -> vector<16x8x16xf32>
    %reshape3A = vector.shape_cast %concatenate3A : vector<16x8x16xf32> to vector<128x16xf32>
    %dot_general3A_76 = arith.constant dense<0.000000e+00> : vector<7x16xf32>
    %dot_general3A_77 = tpu.matmul %slice3A, %reshape3A, %dot_general3A_76 {dimension_numbers = #tpu.dot_dimension_numbers<[1], [0], [0], [1], [0, 0, 1, 1], [], []>, transpose_lhs_hint = false} : vector<7x128xf32>, vector<128x16xf32>, vector<7x16xf32> -> vector<7x16xf32>
    %get3A_78 = arith.constant 0 : index
    %get3A_79 = arith.constant 0 : index
    %get3A_80 = vector.load %arg2[%get3A_78, %get3A_79] : memref<7x16xf32, #tpu.memory_space<vmem>>, vector<7x16xf32>
    %add3A = arith.addf %dot_general3A_77, %get3A_80 : vector<7x16xf32>
    %get3A_81 = arith.constant 0 : index
    %get3A_82 = vector.load %arg3[%get3A_81] : memref<16xf32, #tpu.memory_space<vmem>>, vector<16xf32>
    %reshape3A_83 = vector.shape_cast %get3A_82 : vector<16xf32> to vector<1x16xf32>
    %add3A_84 = vector.broadcast %reshape3A_83 : vector<1x16xf32> to vector<7x16xf32>
    %add3A_85 = arith.addf %add3A, %add3A_84 : vector<7x16xf32>
    %max3A_86 = arith.constant 0.000000e+00 : f32
    %max3A_87 = vector.broadcast %max3A_86 : f32 to vector<7x16xf32>
    %max3A_88 = arith.maximumf %add3A_85, %max3A_87 : vector<7x16xf32>
    %broadcast_in_dim3A_89 = arith.constant 0.000000e+00 : f32
    %broadcast_in_dim3A_90 = vector.broadcast %broadcast_in_dim3A_89 : f32 to vector<1x16xf32>
    %concatenate3A_91 = tpu.concatenate %max3A_88, %broadcast_in_dim3A_90 in 0 : vector<7x16xf32>, vector<1x16xf32> -> vector<8x16xf32>
    %get3A_92 = arith.constant 0 : index
    %get3A_93 = arith.constant 0 : index
    %get3A_94 = arith.constant 0 : index
    %get3A_95 = vector.load %arg4[%get3A_92, %get3A_93, %get3A_94] : memref<16x16x8xf32, #tpu.memory_space<vmem>>, vector<1x16x8xf32>
    %get3A_96 = vector.shape_cast %get3A_95 : vector<1x16x8xf32> to vector<16x8xf32>
    %dot_general3A_97 = arith.constant dense<0.000000e+00> : vector<8x8xf32>
    %dot_general3A_98 = tpu.matmul %concatenate3A_91, %get3A_96, %dot_general3A_97 {dimension_numbers = #tpu.dot_dimension_numbers<[1], [0], [0], [1], [0, 0, 1, 1], [], []>, transpose_lhs_hint = false} : vector<8x16xf32>, vector<16x8xf32>, vector<8x8xf32> -> vector<8x8xf32>
    %get3A_99 = arith.constant 1 : index
    %get3A_100 = arith.constant 0 : index
    %get3A_101 = arith.constant 0 : index
    %get3A_102 = vector.load %arg4[%get3A_99, %get3A_100, %get3A_101] : memref<16x16x8xf32, #tpu.memory_space<vmem>>, vector<1x16x8xf32>
    %get3A_103 = vector.shape_cast %get3A_102 : vector<1x16x8xf32> to vector<16x8xf32>
    %dot_general3A_104 = arith.constant dense<0.000000e+00> : vector<8x8xf32>
    %dot_general3A_105 = tpu.matmul %concatenate3A_91, %get3A_103, %dot_general3A_104 {dimension_numbers = #tpu.dot_dimension_numbers<[1], [0], [0], [1], [0, 0, 1, 1], [], []>, transpose_lhs_hint = false} : vector<8x16xf32>, vector<16x8xf32>, vector<8x8xf32> -> vector<8x8xf32>
    %get3A_106 = arith.constant 2 : index
    %get3A_107 = arith.constant 0 : index
    %get3A_108 = arith.constant 0 : index
    %get3A_109 = vector.load %arg4[%get3A_106, %get3A_107, %get3A_108] : memref<16x16x8xf32, #tpu.memory_space<vmem>>, vector<1x16x8xf32>
    %get3A_110 = vector.shape_cast %get3A_109 : vector<1x16x8xf32> to vector<16x8xf32>
    %dot_general3A_111 = arith.constant dense<0.000000e+00> : vector<8x8xf32>
    %dot_general3A_112 = tpu.matmul %concatenate3A_91, %get3A_110, %dot_general3A_111 {dimension_numbers = #tpu.dot_dimension_numbers<[1], [0], [0], [1], [0, 0, 1, 1], [], []>, transpose_lhs_hint = false} : vector<8x16xf32>, vector<16x8xf32>, vector<8x8xf32> -> vector<8x8xf32>
    %get3A_113 = arith.constant 3 : index
    %get3A_114 = arith.constant 0 : index
    %get3A_115 = arith.constant 0 : index
    %get3A_116 = vector.load %arg4[%get3A_113, %get3A_114, %get3A_115] : memref<16x16x8xf32, #tpu.memory_space<vmem>>, vector<1x16x8xf32>
    %get3A_117 = vector.shape_cast %get3A_116 : vector<1x16x8xf32> to vector<16x8xf32>
    %dot_general3A_118 = arith.constant dense<0.000000e+00> : vector<8x8xf32>
    %dot_general3A_119 = tpu.matmul %concatenate3A_91, %get3A_117, %dot_general3A_118 {dimension_numbers = #tpu.dot_dimension_numbers<[1], [0], [0], [1], [0, 0, 1, 1], [], []>, transpose_lhs_hint = false} : vector<8x16xf32>, vector<16x8xf32>, vector<8x8xf32> -> vector<8x8xf32>
    %get3A_120 = arith.constant 4 : index
    %get3A_121 = arith.constant 0 : index
    %get3A_122 = arith.constant 0 : index
    %get3A_123 = vector.load %arg4[%get3A_120, %get3A_121, %get3A_122] : memref<16x16x8xf32, #tpu.memory_space<vmem>>, vector<1x16x8xf32>
    %get3A_124 = vector.shape_cast %get3A_123 : vector<1x16x8xf32> to vector<16x8xf32>
    %dot_general3A_125 = arith.constant dense<0.000000e+00> : vector<8x8xf32>
    %dot_general3A_126 = tpu.matmul %concatenate3A_91, %get3A_124, %dot_general3A_125 {dimension_numbers = #tpu.dot_dimension_numbers<[1], [0], [0], [1], [0, 0, 1, 1], [], []>, transpose_lhs_hint = false} : vector<8x16xf32>, vector<16x8xf32>, vector<8x8xf32> -> vector<8x8xf32>
    %get3A_127 = arith.constant 5 : index
    %get3A_128 = arith.constant 0 : index
    %get3A_129 = arith.constant 0 : index
    %get3A_130 = vector.load %arg4[%get3A_127, %get3A_128, %get3A_129] : memref<16x16x8xf32, #tpu.memory_space<vmem>>, vector<1x16x8xf32>
    %get3A_131 = vector.shape_cast %get3A_130 : vector<1x16x8xf32> to vector<16x8xf32>
    %dot_general3A_132 = arith.constant dense<0.000000e+00> : vector<8x8xf32>
    %dot_general3A_133 = tpu.matmul %concatenate3A_91, %get3A_131, %dot_general3A_132 {dimension_numbers = #tpu.dot_dimension_numbers<[1], [0], [0], [1], [0, 0, 1, 1], [], []>, transpose_lhs_hint = false} : vector<8x16xf32>, vector<16x8xf32>, vector<8x8xf32> -> vector<8x8xf32>
    %get3A_134 = arith.constant 6 : index
    %get3A_135 = arith.constant 0 : index
    %get3A_136 = arith.constant 0 : index
    %get3A_137 = vector.load %arg4[%get3A_134, %get3A_135, %get3A_136] : memref<16x16x8xf32, #tpu.memory_space<vmem>>, vector<1x16x8xf32>
    %get3A_138 = vector.shape_cast %get3A_137 : vector<1x16x8xf32> to vector<16x8xf32>
    %dot_general3A_139 = arith.constant dense<0.000000e+00> : vector<8x8xf32>
    %dot_general3A_140 = tpu.matmul %concatenate3A_91, %get3A_138, %dot_general3A_139 {dimension_numbers = #tpu.dot_dimension_numbers<[1], [0], [0], [1], [0, 0, 1, 1], [], []>, transpose_lhs_hint = false} : vector<8x16xf32>, vector<16x8xf32>, vector<8x8xf32> -> vector<8x8xf32>
    %get3A_141 = arith.constant 7 : index
    %get3A_142 = arith.constant 0 : index
    %get3A_143 = arith.constant 0 : index
    %get3A_144 = vector.load %arg4[%get3A_141, %get3A_142, %get3A_143] : memref<16x16x8xf32, #tpu.memory_space<vmem>>, vector<1x16x8xf32>
    %get3A_145 = vector.shape_cast %get3A_144 : vector<1x16x8xf32> to vector<16x8xf32>
    %dot_general3A_146 = arith.constant dense<0.000000e+00> : vector<8x8xf32>
    %dot_general3A_147 = tpu.matmul %concatenate3A_91, %get3A_145, %dot_general3A_146 {dimension_numbers = #tpu.dot_dimension_numbers<[1], [0], [0], [1], [0, 0, 1, 1], [], []>, transpose_lhs_hint = false} : vector<8x16xf32>, vector<16x8xf32>, vector<8x8xf32> -> vector<8x8xf32>
    %get3A_148 = arith.constant 8 : index
    %get3A_149 = arith.constant 0 : index
    %get3A_150 = arith.constant 0 : index
    %get3A_151 = vector.load %arg4[%get3A_148, %get3A_149, %get3A_150] : memref<16x16x8xf32, #tpu.memory_space<vmem>>, vector<1x16x8xf32>
    %get3A_152 = vector.shape_cast %get3A_151 : vector<1x16x8xf32> to vector<16x8xf32>
    %dot_general3A_153 = arith.constant dense<0.000000e+00> : vector<8x8xf32>
    %dot_general3A_154 = tpu.matmul %concatenate3A_91, %get3A_152, %dot_general3A_153 {dimension_numbers = #tpu.dot_dimension_numbers<[1], [0], [0], [1], [0, 0, 1, 1], [], []>, transpose_lhs_hint = false} : vector<8x16xf32>, vector<16x8xf32>, vector<8x8xf32> -> vector<8x8xf32>
    %get3A_155 = arith.constant 9 : index
    %get3A_156 = arith.constant 0 : index
    %get3A_157 = arith.constant 0 : index
    %get3A_158 = vector.load %arg4[%get3A_155, %get3A_156, %get3A_157] : memref<16x16x8xf32, #tpu.memory_space<vmem>>, vector<1x16x8xf32>
    %get3A_159 = vector.shape_cast %get3A_158 : vector<1x16x8xf32> to vector<16x8xf32>
    %dot_general3A_160 = arith.constant dense<0.000000e+00> : vector<8x8xf32>
    %dot_general3A_161 = tpu.matmul %concatenate3A_91, %get3A_159, %dot_general3A_160 {dimension_numbers = #tpu.dot_dimension_numbers<[1], [0], [0], [1], [0, 0, 1, 1], [], []>, transpose_lhs_hint = false} : vector<8x16xf32>, vector<16x8xf32>, vector<8x8xf32> -> vector<8x8xf32>
    %get3A_162 = arith.constant 10 : index
    %get3A_163 = arith.constant 0 : index
    %get3A_164 = arith.constant 0 : index
    %get3A_165 = vector.load %arg4[%get3A_162, %get3A_163, %get3A_164] : memref<16x16x8xf32, #tpu.memory_space<vmem>>, vector<1x16x8xf32>
    %get3A_166 = vector.shape_cast %get3A_165 : vector<1x16x8xf32> to vector<16x8xf32>
    %dot_general3A_167 = arith.constant dense<0.000000e+00> : vector<8x8xf32>
    %dot_general3A_168 = tpu.matmul %concatenate3A_91, %get3A_166, %dot_general3A_167 {dimension_numbers = #tpu.dot_dimension_numbers<[1], [0], [0], [1], [0, 0, 1, 1], [], []>, transpose_lhs_hint = false} : vector<8x16xf32>, vector<16x8xf32>, vector<8x8xf32> -> vector<8x8xf32>
    %get3A_169 = arith.constant 11 : index
    %get3A_170 = arith.constant 0 : index
    %get3A_171 = arith.constant 0 : index
    %get3A_172 = vector.load %arg4[%get3A_169, %get3A_170, %get3A_171] : memref<16x16x8xf32, #tpu.memory_space<vmem>>, vector<1x16x8xf32>
    %get3A_173 = vector.shape_cast %get3A_172 : vector<1x16x8xf32> to vector<16x8xf32>
    %dot_general3A_174 = arith.constant dense<0.000000e+00> : vector<8x8xf32>
    %dot_general3A_175 = tpu.matmul %concatenate3A_91, %get3A_173, %dot_general3A_174 {dimension_numbers = #tpu.dot_dimension_numbers<[1], [0], [0], [1], [0, 0, 1, 1], [], []>, transpose_lhs_hint = false} : vector<8x16xf32>, vector<16x8xf32>, vector<8x8xf32> -> vector<8x8xf32>
    %get3A_176 = arith.constant 12 : index
    %get3A_177 = arith.constant 0 : index
    %get3A_178 = arith.constant 0 : index
    %get3A_179 = vector.load %arg4[%get3A_176, %get3A_177, %get3A_178] : memref<16x16x8xf32, #tpu.memory_space<vmem>>, vector<1x16x8xf32>
    %get3A_180 = vector.shape_cast %get3A_179 : vector<1x16x8xf32> to vector<16x8xf32>
    %dot_general3A_181 = arith.constant dense<0.000000e+00> : vector<8x8xf32>
    %dot_general3A_182 = tpu.matmul %concatenate3A_91, %get3A_180, %dot_general3A_181 {dimension_numbers = #tpu.dot_dimension_numbers<[1], [0], [0], [1], [0, 0, 1, 1], [], []>, transpose_lhs_hint = false} : vector<8x16xf32>, vector<16x8xf32>, vector<8x8xf32> -> vector<8x8xf32>
    %get3A_183 = arith.constant 13 : index
    %get3A_184 = arith.constant 0 : index
    %get3A_185 = arith.constant 0 : index
    %get3A_186 = vector.load %arg4[%get3A_183, %get3A_184, %get3A_185] : memref<16x16x8xf32, #tpu.memory_space<vmem>>, vector<1x16x8xf32>
    %get3A_187 = vector.shape_cast %get3A_186 : vector<1x16x8xf32> to vector<16x8xf32>
    %dot_general3A_188 = arith.constant dense<0.000000e+00> : vector<8x8xf32>
    %dot_general3A_189 = tpu.matmul %concatenate3A_91, %get3A_187, %dot_general3A_188 {dimension_numbers = #tpu.dot_dimension_numbers<[1], [0], [0], [1], [0, 0, 1, 1], [], []>, transpose_lhs_hint = false} : vector<8x16xf32>, vector<16x8xf32>, vector<8x8xf32> -> vector<8x8xf32>
    %get3A_190 = arith.constant 14 : index
    %get3A_191 = arith.constant 0 : index
    %get3A_192 = arith.constant 0 : index
    %get3A_193 = vector.load %arg4[%get3A_190, %get3A_191, %get3A_192] : memref<16x16x8xf32, #tpu.memory_space<vmem>>, vector<1x16x8xf32>
    %get3A_194 = vector.shape_cast %get3A_193 : vector<1x16x8xf32> to vector<16x8xf32>
    %dot_general3A_195 = arith.constant dense<0.000000e+00> : vector<8x8xf32>
    %dot_general3A_196 = tpu.matmul %concatenate3A_91, %get3A_194, %dot_general3A_195 {dimension_numbers = #tpu.dot_dimension_numbers<[1], [0], [0], [1], [0, 0, 1, 1], [], []>, transpose_lhs_hint = false} : vector<8x16xf32>, vector<16x8xf32>, vector<8x8xf32> -> vector<8x8xf32>
    %get3A_197 = arith.constant 15 : index
    %get3A_198 = arith.constant 0 : index
    %get3A_199 = arith.constant 0 : index
    %get3A_200 = vector.load %arg4[%get3A_197, %get3A_198, %get3A_199] : memref<16x16x8xf32, #tpu.memory_space<vmem>>, vector<1x16x8xf32>
    %get3A_201 = vector.shape_cast %get3A_200 : vector<1x16x8xf32> to vector<16x8xf32>
    %dot_general3A_202 = arith.constant dense<0.000000e+00> : vector<8x8xf32>
    %dot_general3A_203 = tpu.matmul %concatenate3A_91, %get3A_201, %dot_general3A_202 {dimension_numbers = #tpu.dot_dimension_numbers<[1], [0], [0], [1], [0, 0, 1, 1], [], []>, transpose_lhs_hint = false} : vector<8x16xf32>, vector<16x8xf32>, vector<8x8xf32> -> vector<8x8xf32>
    %concatenate3A_204 = tpu.concatenate %dot_general3A_98, %dot_general3A_105, %dot_general3A_112, %dot_general3A_119, %dot_general3A_126, %dot_general3A_133, %dot_general3A_140, %dot_general3A_147, %dot_general3A_154, %dot_general3A_161, %dot_general3A_168, %dot_general3A_175, %dot_general3A_182, %dot_general3A_189, %dot_general3A_196, %dot_general3A_203 in 0 : vector<8x8xf32>, vector<8x8xf32>, vector<8x8xf32>, vector<8x8xf32>, vector<8x8xf32>, vector<8x8xf32>, vector<8x8xf32>, vector<8x8xf32>, vector<8x8xf32>, vector<8x8xf32>, vector<8x8xf32>, vector<8x8xf32>, vector<8x8xf32>, vector<8x8xf32>, vector<8x8xf32>, vector<8x8xf32> -> vector<128x8xf32>
    %dot_general3A_205 = arith.constant dense<0.000000e+00> : vector<7x8xf32>
    %dot_general3A_206 = tpu.matmul %slice3A, %concatenate3A_204, %dot_general3A_205 {dimension_numbers = #tpu.dot_dimension_numbers<[1], [0], [0], [1], [0, 0, 1, 1], [], []>, transpose_lhs_hint = false} : vector<7x128xf32>, vector<128x8xf32>, vector<7x8xf32> -> vector<7x8xf32>
    %get3A_207 = arith.constant 0 : index
    %get3A_208 = arith.constant 0 : index
    %get3A_209 = vector.load %arg5[%get3A_207, %get3A_208] : memref<16x8xf32, #tpu.memory_space<vmem>>, vector<16x8xf32>
    %dot_general3A_210 = arith.constant dense<0.000000e+00> : vector<7x8xf32>
    %dot_general3A_211 = tpu.matmul %max3A_88, %get3A_209, %dot_general3A_210 {dimension_numbers = #tpu.dot_dimension_numbers<[1], [0], [0], [1], [0, 0, 1, 1], [], []>, transpose_lhs_hint = false} : vector<7x16xf32>, vector<16x8xf32>, vector<7x8xf32> -> vector<7x8xf32>
    %add3A_212 = arith.addf %dot_general3A_206, %dot_general3A_211 : vector<7x8xf32>
    %get3A_213 = arith.constant 0 : index
    %get3A_214 = vector.load %arg6[%get3A_213] : memref<8xf32, #tpu.memory_space<vmem>>, vector<8xf32>
    %reshape3A_215 = vector.shape_cast %get3A_214 : vector<8xf32> to vector<1x8xf32>
    %add3A_216 = vector.broadcast %reshape3A_215 : vector<1x8xf32> to vector<7x8xf32>
    %add3A_217 = arith.addf %add3A_212, %add3A_216 : vector<7x8xf32>
    %reduce_max3A = arith.constant dense<0xFF800000> : vector<7xf32>
    %reduce_max3A_218 = vector.multi_reduction <maximumf>, %add3A_217, %reduce_max3A [1] : vector<7x8xf32> to vector<7xf32>
    %broadcast_in_dim3A_219 = vector.shape_cast %reduce_max3A_218 : vector<7xf32> to vector<7x1xf32>
    %sub3A_220 = vector.broadcast %broadcast_in_dim3A_219 : vector<7x1xf32> to vector<7x8xf32>
    %sub3A_221 = arith.subf %add3A_217, %sub3A_220 : vector<7x8xf32>
    %exp3A = math.exp %sub3A_221 : vector<7x8xf32>
    %reduce_sum3A_222 = arith.constant dense<0.000000e+00> : vector<7xf32>
    %reduce_sum3A_223 = vector.multi_reduction <add>, %exp3A, %reduce_sum3A_222 [1] : vector<7x8xf32> to vector<7xf32>
    %broadcast_in_dim3A_224 = vector.shape_cast %reduce_sum3A_223 : vector<7xf32> to vector<7x1xf32>
    %log3A = math.log %broadcast_in_dim3A_224 : vector<7x1xf32>
    %sub3A_225 = vector.broadcast %broadcast_in_dim3A_219 : vector<7x1xf32> to vector<7x8xf32>
    %sub3A_226 = arith.subf %add3A_217, %sub3A_225 : vector<7x8xf32>
    %sub3A_227 = vector.broadcast %log3A : vector<7x1xf32> to vector<7x8xf32>
    %sub3A_228 = arith.subf %sub3A_226, %sub3A_227 : vector<7x8xf32>
    %swap3A = arith.constant 0 : index
    %swap3A_229 = arith.constant 0 : index
    %swap3A_230 = vector.load %arg7[%swap3A, %swap3A_229] : memref<7x8xf32, #tpu.memory_space<vmem>>, vector<7x8xf32>
    tpu.vector_store %arg7[%swap3A, %swap3A_229], %sub3A_228 {strides = array<i32>} : memref<7x8xf32, #tpu.memory_space<vmem>>, vector<7x8xf32>,
    return
  }
}

</mosaic_0001>

<sc_bundles>
// kernel: kernel.4.cloned.1.call-start
scs
__scs_entry_jumppad:
0x0: {  	(pc) =	sbr.rel $0x88, $3  }
0x1: {  	(tag) =	ssettag $0x0;
	lr =	simm.s32 $0x1  }
0x2: {  	[smem:$0x3F99] =	sst lr;
	_ =	strace $0xD0000000  }
0x3: {  	_ = 	snop  }
0x4: {  	_ = 	snop  }
0x5: {  	_ = 	snop  }
0x6: {  	_ = 	snop  }
0x7: {  	_ = 	snop  }
__scs_overlays_trampoline_lowered:
0x8: {  	[smem:$0x3FA8] =	sst s0  }
0x9: {  	[smem:$0x3FA9] =	sst s1  }
0xa: {  	[smem:$0x3FAA] =	sst s2  }
0xb: {  	[smem:$0x3FAB] =	sst s3  }
0xc: {  	[smem:$0x3FAC] =	sst s4  }
0xd: {  	[smem:$0x3FAD] =	sst s5  }
0xe: {  	[smem:$0x3FAE] =	sst s6  }
0xf: {  	[smem:$0x3FAF] =	sst s7  }
0x10: {  	[smem:$0x3FB0] =	sst s8  }
0x11: {  	[smem:$0x3FB1] =	sst s9;
	s0 =	simm.s32 @!p0 $0x0  }
0x12: {  	s1 =	sld [smem:$0x3F97];
	s0 =	simm.s32 @p0 $0x1  }
0x13: {  	[smem:$0x3FB2] =	sst s0;
	s0 =	simm.s32 @!p1 $0x0  }
0x14: {  	s2 =	sld [smem:$0x3F96];
	s0 =	simm.s32 @p1 $0x1  }
0x15: {  	[smem:$0x3FB3] =	sst s0;
	s0 =	simm.s32 @!p2 $0x0  }
0x16: {  	s3 =	sld [smem:$0x3FDB];
	s0 =	simm.s32 @p2 $0x1  }
0x17: {  	s4 =	simm.s32 $0x1BF5;
	[smem:$0x3FB5] =	sst s0  }
0x18: {  	s0 =	sld [smem:$0x3F98];
	_ =	swait.ge [sflag:s4], $0x0  }
0x19: {  	s7 =	sld [smem:$0x3F99]  }
0x1a: {  	s8 =	sadd.s32 $0xFFFFE003, lr  }
0x1b: {  	s9 =	sadd.s32 $0xFFFFFEF7, lr;
	s5 =	simm.s32 $0xFFFFFFFF;
	p2 =	slt.u32 s8, $0xFFFFF086  }
0x1c: {  	p1 =	slt.u32 s9, $0xF7A;
	s5 =	simm.s32 @!p2 $0x0  }
0x1d: {  	s5 =	simm.s32 @p1 $0x1;
	p0 =	seq.s32 s7, s2  }
0x1e: {  	s7 =	smul.u32 @!p0 $0xF7A, s2;
	p2 =	seq.s32 @!p0 s5, $0x0  }
0x1f: {  	s9 =	smul.u32 $0xF7A, s1;
	s8 =	simm.s32 @!p0 $0x1BF5;
	p2 =	por !p2, p0  }
0x20: {  	[sflag:s8] =	ssyncset.s32 @!p0 $0xFFFFF086;
	s6 =	sadd.s32 @!p0 s3, s7;
	s7 =	simm.s32 @!p0 $0x108  }
0x21: {  	s3 =	sadd.s32 s3, s9;
	s6 =	sadd.s32 @!p0 $0x88, s6;
	s7 =	simm.s32 @p2 $0x1082  }
0x22: {  	[simem:s7], [sflag:s8] =	dma.local @!p0 [hbm:s6], $0xF7A  }
0x23: {  	s9 =	sor.u32 $0xD0000000, s2;
	s6 =	simm.s32 $0x108;
	_ =	swait.ge @!p0 [sflag:s8], $0x0  }
0x24: {  	s3 =	sadd.s32 $0x88, s3;
	s6 =	simm.s32 @!p1 $0x1082;
	[sflag:s4] =	ssyncset.s32 $0xFFFFF086  }
0x25: {  	[simem:s6], [sflag:s4] =	dma.local [hbm:s3], $0xF7A  }
0x26: {  	[smem:$0x3F99] =	sst s1;
	(tag) =	ssettag s2;
	_ =	strace s9  }
0x27: {  	s1 =	sld [smem:$0x3FA9]  }
0x28: {  	s2 =	sld [smem:$0x3FAA]  }
0x29: {  	s4 =	sld [smem:$0x3FAC]  }
0x2a: {  	p0 =	seq.s32 s5, $0x0;
	s5 =	sld [smem:$0x3FAD]  }
0x2b: {  	s6 =	sld [smem:$0x3FAE]  }
0x2c: {  	s7 =	sld [smem:$0x3FAF]  }
0x2d: {  	s3 =	simm.s32 $0x108;
	s8 =	sld [smem:$0x3FB0]  }
0x2e: {  	s3 =	simm.s32 @!p0 $0x1082;
	s9 =	sld [smem:$0x3FB1]  }
0x2f: {  	lr =	sadd.s32 s0, s3;
	s0 =	sld [smem:$0x3FA8]  }
0x30: {  	s3 =	sld [smem:$0x3FAB]  }
0x31: {  	[smem:$0x3FB4] =	sst s10  }
0x32: {  	s10 =	sld [smem:$0x3FB2];
	_ =	sdelay $0x3  }
0x33: {  	p0 =	seq.s32 s10, $0x1;
	s10 =	sld [smem:$0x3FB4];
	_ =	sdelay $0x3  }
0x34: {  	[smem:$0x3FB4] =	sst s10  }
0x35: {  	s10 =	sld [smem:$0x3FB3];
	_ =	sdelay $0x3  }
0x36: {  	p1 =	seq.s32 s10, $0x1;
	s10 =	sld [smem:$0x3FB4];
	_ =	sdelay $0x3  }
0x37: {  	[smem:$0x3FB4] =	sst s10  }
0x38: {  	s10 =	sld [smem:$0x3FB5]  }
0x39: {  	_ = 	snop;
	(pc) =	sbr.ind lr, $3  }
0x3a: {  	_ = 	snop  }
0x3b: {  	_ = 	snop  }
0x3c: {  	p2 =	seq.s32 s10, $0x1;
	s10 =	sld [smem:$0x3FB4]  }
0x3d: {  	_ =	shalt  }
0x3e: {  	_ =	shalt  }
0x3f: {  	_ =	shalt  }
0x40: {  	_ =	shalt  }
0x41: {  	_ =	shalt  }
0x42: {  	_ =	shalt  }
0x43: {  	_ =	shalt  }
0x44: {  	_ =	shalt  }
0x45: {  	_ =	shalt  }
0x46: {  	_ =	shalt  }
0x47: {  	_ =	shalt  }
0x48: {  	_ =	shalt  }
0x49: {  	_ =	shalt  }
0x4a: {  	_ =	shalt  }
0x4b: {  	_ =	shalt  }
0x4c: {  	_ =	shalt  }
0x4d: {  	_ =	shalt  }
0x4e: {  	_ =	shalt  }
0x4f: {  	_ =	shalt  }
0x50: {  	_ =	shalt  }
0x51: {  	_ =	shalt  }
0x52: {  	_ =	shalt  }
0x53: {  	_ =	shalt  }
0x54: {  	_ =	shalt  }
0x55: {  	_ =	shalt  }
0x56: {  	_ =	shalt  }
0x57: {  	_ =	shalt  }
0x58: {  	_ =	shalt  }
0x59: {  	_ =	shalt  }
0x5a: {  	_ =	shalt  }
0x5b: {  	_ =	shalt  }
0x5c: {  	_ =	shalt  }
0x5d: {  	_ =	shalt  }
0x5e: {  	_ =	shalt  }
0x5f: {  	_ =	shalt  }
0x60: {  	_ =	shalt  }
0x61: {  	_ =	shalt  }
0x62: {  	_ =	shalt  }
0x63: {  	_ =	shalt  }
0x64: {  	_ =	shalt  }
0x65: {  	_ =	shalt  }
0x66: {  	_ =	shalt  }
0x67: {  	_ =	shalt  }
0x68: {  	_ =	shalt  }
0x69: {  	_ =	shalt  }
0x6a: {  	_ =	shalt  }
0x6b: {  	_ =	shalt  }
0x6c: {  	_ =	shalt  }
0x6d: {  	_ =	shalt  }
0x6e: {  	_ =	shalt  }
0x6f: {  	_ =	shalt  }
0x70: {  	_ =	shalt  }
0x71: {  	_ =	shalt  }
0x72: {  	_ =	shalt  }
0x73: {  	_ =	shalt  }
0x74: {  	_ =	shalt  }
0x75: {  	_ =	shalt  }
0x76: {  	_ =	shalt  }
0x77: {  	_ =	shalt  }
0x78: {  	_ =	shalt  }
0x79: {  	_ =	shalt  }
0x7a: {  	_ =	shalt  }
0x7b: {  	_ =	shalt  }
0x7c: {  	_ =	shalt  }
0x7d: {  	_ =	shalt  }
0x7e: {  	_ =	shalt  }
0x7f: {  	_ =	shalt  }
0x80: {  	_ =	shalt  }
0x81: {  	_ =	shalt  }
0x82: {  	_ =	shalt  }
0x83: {  	_ =	shalt  }
0x84: {  	_ =	shalt  }
0x85: {  	_ =	shalt  }
0x86: {  	_ =	shalt  }
0x87: {  	_ =	shalt  }
.Lfunc_end0:
.L_simem_size_0:
called_computation_lowered:
.L_overlay_start_0:
0x88: {  	s0 =	sld [smem:$0x3FD9]  }
0x89: {  	s1 =	sld [smem:$0x3FFE];
	_ =	sdelay $0x3  }
0x8a: {  	s0 =	sadd.s32 s1, s0  }
0x8b: {  	[smem:$0x3FC0] =	sst s0  }
0x8c: {  	_ = 	snop  }
0x8d: {  	s0 =	sld [smem:$0x3FC9]  }
0x8e: {  	s16 =	sld [smem:$0x3FC8];
	(tm) =	ssettm $0x1  }
0x8f: {  	s2 =	sld [smem:$0x3FFB];
	_ =	sdelay $0x3  }
0x90: {  	_ =	strace s2  }
0x91: {  	s2 =	sld [smem:$0x3FFC];
	_ =	sdelay $0x3  }
0x92: {  	_ =	strace s2  }
0x93: {  	s2 =	sld [smem:$0x3FFD];
	_ =	sdelay $0x3  }
0x94: {  	_ =	strace s2  }
0x95: {  	_ =	strace $0x8FFFFFFF  }
0x96: {  	s17 =	sld [smem:$0x3FDB];
	_ =	sdelay $0x1  }
0x97: {  	s3 =	simm.s32 $_scs_section_size  }
0x98: {  	s4 =	simm.s32 $_size__tile_overlayer_lowered;
	s5 =	simm.s32 $_tile_overlayer_lowered  }
0x99: {  	s20 =	simm.s32 $0x1BFF;
	s19 =	sshll.u32 s5, $0x1;
	s2 =	sadd.s32 s3, s17  }
0x9a: {  	s6 =	simm.s32 $0x0;
	s18 =	sshll.u32 s4, $0x1;
	s4 =	sadd.s32 s19, s2  }
0x9b: {  	[timem:s6], [sflag:s20] =	dma.local [hbm:s4], s18  }
0x9c: {  	_ =	swait.ge [sflag:s20], s18  }
0x9d: {  	s3 =	ssub.s32 $0x0, s18;
	[sflag:s20] =	ssyncset.done $0x0  }
0x9e: {  	[sflag:s20] =	ssyncadd.s32 s3;
	_ =	sdelay $0x1  }
0x9f: {  	s21 =	simm.s32 $0x1B8B  }
0xa0: {  	_ =	swait.ge [sflag:s21], $0x1  }
0xa1: {  	[sflag:s21] =	ssyncset.done $0x0  }
0xa2: {  	s23 =	simm.s32 $0x1B8E;
	s22 =	sld [smem:$0x3FFE];
	[sflag:s21] =	ssyncadd.s32 $0xFFFFFFFF  }
0xa3: {  	s24 =	simm.s32 $execute0_lowered;
	[smem:$0x3FD2] =	sst s23  }
0xa4: {  	s4 =	sshll.u32 s24, $0x1;
	_ =	strace $0x80000046;
	[dreg:$0x1] =	wrdreg $0xFFFFFFFF  }
0xa5: {  	s25 =	simm.s32 $_size_execute0_lowered;
	s2 =	sadd.s32 s2, s4;
	[dreg:$0x0] =	wrdreg $0x0  }
0xa6: {  	s4 =	sshll.u32 s25, $0x1;
	[dreg:$0x2] =	wrdreg s2  }
0xa7: {  	[dreg:$0x3] =	wrdreg s4  }
0xa8: {  	[dreg:$0x4] =	wrdreg $0xC0  }
0xa9: {  	_ =	task [dreg:s6], $0x5FFFF  }
0xaa: {  	[dreg:$0x1] =	wrdreg $0xFFFFFFFF  }
0xab: {  	[dreg:$0x0] =	wrdreg $0x60  }
0xac: {  	[dreg:$0x2] =	wrdreg s0  }
0xad: {  	[dreg:$0x3] =	wrdreg s16  }
0xae: {  	[dreg:$0x4] =	wrdreg s22  }
0xaf: {  	[dreg:$0x5] =	wrdreg $0x9  }
0xb0: {  	_ =	task.clear_ibuf [dreg:s6], $0x6FFFF;
	_ =	strace $0x90000046  }
0xb1: {  	s26 =	simm.s32 $0x9;
	_ =	strace $0x80000048  }
0xb2: {  	_ =	swait.ge [sflag:s26], $0x1  }
0xb3: {  	[sflag:s26] =	ssyncadd.s32 $0xFFFFFFFF  }
0xb4: {  	_ =	strace $0x90000048  }
0xb5: {  	_ =	sfence  }
0xb6: {  	s28 =	sld [smem:$0x0];
	_ =	sdelay $0x1  }
0xb7: {  	s29 =	srdreg.scid  }
0xb8: {  	s30 =	sshll.u32 s29, $0xD;
	s31 =	sshrl.u32 s29, $0x2  }
0xb9: {  	s1 =	sand.u32 $0x1, s29;
	s2 =	sand.u32 $0x4000, s30;
	s0 =	sadd.s32 s31, s28  }
0xba: {  	s1 =	sor.u32 s2, s1;
	s0 =	sshll.u32 s0, $0x11  }
0xbb: {  	s0 =	sor.u32 s0, s1  }
0xbc: {  	s0 =	sadd.s32 $0x8F2B, s0  }
0xbd: {  	[sflag:s0] =	ssyncadd.remote.s32 $0x1  }
0xbe: {  	_ =	sfence.sel $0xFFFF  }
0xbf: {  	[dreg:$0x0] =	wrdreg $0xFFFFFFFF;
	(pc) =	sbr.abs _section_cstart, $3  }
0xc0: {  	[dreg:$0x1] =	wrdreg $0xFFFFFFFF  }
0xc1: {  	_ =	task.clear_ibuf [dreg:s6], $0x2FFFF;
	_ =	strace $0x9FFFFFFF  }
0xc2: {  	(tm) =	ssettm $0x7FFFFFFF  }
0xc3: {  	_ =	shalt  }
tec
execute0_lowered:
.L_overlay_start_1:
0x0: {  	(tag) =	ssettag $0x1  }
0x1: {  	s3 =	rddreg [dreg:$0x0]  }
0x2: {  	s2 =	rddreg [dreg:$0x1];
	s4 =	stileid.u32  }
0x3: {  	s1 =	rddreg [dreg:$0x2];
	s5 =	smul.u32 $0x9C00, s4  }
0x4: {  	s0 =	rddreg [dreg:$0x3];
	s6 =	simm.s32 $0x0;
	s7 =	smul.u32 $0x2700, s4  }
0x5: {  	[smem:$0x7FF] =	sst s6  }
0x6: {  	_ =	strace $0x80000047;
	s7 =	sadd.s32 s3, s7;
	s8 =	sshrl.u32 s5, $0x3  }
0x7: {  	[tilespmem:s6], [sflag:$0x1] =	stream.linear.gather [hbm4b:s7+s6], $0x3400, $0x38;
	[tilespmem:$0xE000] =	vst v63  }
0x8: {  	s31 =	simm.s32 $0x6800;
	s30 =	sadd.s32 s2, s8  }
0x9: {  	[tilespmem:s31], [sflag:$0x1] =	stream.linear.gather [hbm4b:s30+s6], $0x1A00, $0x38;
	[tilespmem:$0xE000] =	vst v63  }
0xa: {  	v0 =	vimm.f32 $0.0e+00;
	s6 =	simm.s32 $0x9C40  }
0xb: {  	[tilespmem:s6+$0xFFFFFFC0] =	vst v0  }
0xc: {  	[tilespmem:s6+$0x30] =	vst v0  }
0xd: {  	[tilespmem:s6+$0x20] =	vst v0  }
0xe: {  	[tilespmem:s6+$0x10] =	vst v0  }
0xf: {  	[tilespmem:s6+$0x0] =	vst v0  }
0x10: {  	[tilespmem:s6+$0xFFFFFFF0] =	vst v0  }
0x11: {  	s1 =	sadd.s32 $0x1200, s1;
	s7 =	simm.s32 $0x0;
	[tilespmem:s6+$0xFFFFFFE0] =	vst v0  }
.LBB2_1:
0x12: {  	s7 =	sadd.s32 $0x8, s7;
	[tilespmem:s6+$0xFFFFFFD0] =	vst v0;
	s6 =	sadd.s32 $0x80, s6  }
0x13: {  	[tilespmem:s6+$0xFFFFFFC0] =	vst v0;
	p0 =	slt.u32 s7, $0x3F8  }
0x14: {  	[tilespmem:s6+$0x30] =	vst v0  }
.Ltmp0:
0x15: {  	[tilespmem:s6+$0x20] =	vst v0;
	(pc) =	sbr.rel @p0 .LBB2_1-.Ltmp0, $4  }
0x16: {  	[tilespmem:s6+$0x10] =	vst v0  }
0x17: {  	[tilespmem:s6+$0x0] =	vst v0  }
0x18: {  	[tilespmem:s6+$0xFFFFFFF0] =	vst v0  }
0x19: {  	[tilespmem:s6+$0xFFFFFFE0] =	vst v0  }
0x1a: {  	v1 =	vlaneseq.u32  }
0x1b: {  	[tilespmem:s6+$0xFFFFFFD0] =	vst v0;
	s7 =	simm.s32 $0x0;
	p0 =	por $0x0, $0x0;
	s6 =	simm.s32 $0x9C00;
	v0 =	vmul.u32 $0x400, v1;
	v1 =	vimm.f32 $1.000000000e+00  }
.LBB2_4:
0x1c: {  	s8 =	sand.u32 $0x1, s7  }
0x1d: {  	p1 =	seq.s32 s8, $0x1  }
0x1e: {  	s9 =	simm.s32 @!p1 $0x1  }
0x1f: {  	_ =	swait.ge @!p1 [sflag:s9], $0x3400  }
0x20: {  	[sflag:s9] =	ssyncset.done @!p1 $0x0  }
0x21: {  	p2 =	seq.s32 s7, $0x2;
	[sflag:s9] =	ssyncadd.s32 @!p1 $0xFFFFCC00  }
0x22: {  	s7 =	sadd.s32 $0x1, s7;
	s10 =	simm.s32 $0x1;
	_ =	swait.ge @!p1 [sflag:s9], $0x1A00  }
0x23: {  	s26 =	simm.s32 $0xF0;
	p3 =	seq.s32 s8, $0x0;
	[sflag:s9] =	ssyncset.done @!p1 $0x0  }
0x24: {  	s10 =	simm.s32 @!p0 $0x0;
	[sflag:s9] =	ssyncadd.s32 @!p1 $0xFFFFE600;
	s9 =	simm.s32 @!p3 $0x2  }
0x25: {  	p4 =	sne.s32 @!p2 s8, $0x0;
	s18 =	smul.u32 $0xD000, s10;
	_ =	swait.ge @!p3 [sflag:s9], $0x3400  }
0x26: {  	p2 =	por p4, p2;
	s13 =	smul.u32 @p1 $0x1A00, s7;
	[sflag:s9] =	ssyncset.done @!p3 $0x0  }
0x27: {  	s14 =	simm.s32 @p1 $0x0;
	s8 =	smul.u32 @!p2 $0x1A00, s7;
	[sflag:s9] =	ssyncadd.s32 @!p3 $0xFFFFCC00  }
0x28: {  	s11 =	simm.s32 @!p2 $0x0;
	s12 =	simm.s32 @!p2 $0x3400;
	_ =	swait.ge @!p3 [sflag:s9], $0x1A00  }
0x29: {  	s19 =	sor.u32 $0x380, s18;
	s8 =	sadd.s32 @!p2 s5, s8;
	[sflag:s9] =	ssyncset.done @!p3 $0x0  }
0x2a: {  	s23 =	sshrl.u32 s18, $0x2;
	[sflag:s9] =	ssyncadd.s32 @!p3 $0xFFFFE600;
	s9 =	sshrl.u32 @!p2 s8, $0x2  }
0x2b: {  	s25 =	sor.u32 $0x2C0, s18;
	s8 =	sshrl.u32 @!p2 s8, $0x3;
	s9 =	sadd.s32 @!p2 s3, s9  }
0x2c: {  	[tilespmem:s12], [sflag:$0x2] =	stream.linear.gather @!p2 [hbm4b:s9+s11], $0x3400, $0x38;
	[tilespmem:$0xE000] =	vst v63  }
0x2d: {  	s20 =	sand.u32 $0xF000, s19;
	s8 =	sadd.s32 @!p2 s2, s8;
	s12 =	simm.s32 @!p2 $0x8200  }
0x2e: {  	[tilespmem:s12], [sflag:$0x2] =	stream.linear.gather @!p2 [hbm4b:s8+s11], $0x1A00, $0x38;
	[tilespmem:$0xE000] =	vst v63  }
0x2f: {  	s15 =	sor.u32 $0x300, s18;
	s21 =	sshrl.u32 s20, $0x2;
	s8 =	sadd.s32 @p1 s5, s13  }
0x30: {  	s29 =	sshrl.u32 s25, $0x2;
	s30 =	sshrl.u32 s15, $0x2;
	v2 =	vmov s21;
	s12 =	sshrl.u32 @p1 s8, $0x2  }
0x31: {  	s9 =	sor.u32 $0x340, s18;
	s8 =	sshrl.u32 @p1 s8, $0x3;
	s12 =	sadd.s32 @p1 s3, s12  }
0x32: {  	v3 =	vmov s23;
	[tilespmem:s14], [sflag:$0x1] =	stream.linear.gather @p1 [hbm4b:s12+s14], $0x3400, $0x38;
	[tilespmem:$0xE000] =	vst v63  }
0x33: {  	v6 =	vmov s29;
	s9 =	sshrl.u32 s9, $0x2;
	s13 =	simm.s32 @p1 $0x6800;
	s8 =	sadd.s32 @p1 s2, s8  }
0x34: {  	v7 =	vmov s30;
	[tilespmem:s13], [sflag:$0x1] =	stream.linear.gather @p1 [hbm4b:s8+s14], $0x1A00, $0x38;
	[tilespmem:$0xE000] =	vst v63  }
0x35: {  	s31 =	sshrl.u32 s19, $0x2;
	v8 =	vmov s9;
	v10 =	vld.idx.msk [tilespmem:v2+s26+$0x0 ss:$0x1], $0xffff  }
0x36: {  	v9 =	vmov s31;
	v11 =	vld.idx.msk [tilespmem:v2+s26+$0xFFFFFF80 ss:$0x1], $0xffff  }
0x37: {  	v13 =	vld.idx.msk [tilespmem:v3+s26+$0xFFFFFF90 ss:$0x1], $0xffff  }
0x38: {  	v16 =	vld.idx.msk [tilespmem:v6+s26+$0xFFFFFF10 ss:$0x1], $0xffff  }
0x39: {  	v17 =	vld.idx.msk [tilespmem:v7+s26+$0xFFFFFF10 ss:$0x1], $0xffff  }
0x3a: {  	v18 =	vld.idx.msk [tilespmem:v8+s26+$0xFFFFFF10 ss:$0x1], $0xffff  }
0x3b: {  	s22 =	sor.u32 $0x240, s18;
	v19 =	vld.idx.msk [tilespmem:v9+s26+$0xFFFFFF10 ss:$0x1], $0xffff  }
0x3c: {  	s24 =	sor.u32 $0x280, s18;
	s8 =	sshrl.u32 s22, $0x2;
	v22 =	vld.idx.msk [tilespmem:v6+s26+$0xFFFFFE90 ss:$0x1], $0xffff  }
0x3d: {  	s10 =	smul.u32 $0x6800, s10;
	s13 =	sshrl.u32 s24, $0x2;
	v4 =	vmov s8;
	v23 =	vld.idx.msk [tilespmem:v7+s26+$0xFFFFFE90 ss:$0x1], $0xffff  }
0x3e: {  	v5 =	vmov s13;
	v24 =	vld.idx.msk [tilespmem:v8+s26+$0xFFFFFE90 ss:$0x1], $0xffff  }
0x3f: {  	s28 =	sshrl.u32 s10, $0x2;
	v25 =	vld.idx.msk [tilespmem:v9+s26+$0xFFFFFE90 ss:$0x1], $0xffff  }
0x40: {  	s8 =	sadd.s32 $0x6840, s28;
	v26 =	vld.idx.msk [tilespmem:v3+s26+$0xFFFFFF10 ss:$0x1], $0xffff  }
0x41: {  	v12 =	vld [tilespmem:s8+$0x30]  }
0x42: {  	v14 =	vld.idx.msk [tilespmem:v4+s26+$0xFFFFFF10 ss:$0x1], $0xffff  }
0x43: {  	v15 =	vld.idx.msk [tilespmem:v5+s26+$0xFFFFFF10 ss:$0x1], $0xffff  }
0x44: {  	v58 =	vld [tilespmem:s8+$0xFFFFFFE0];
	v10 =	vshll.u32 v10, $0x7  }
0x45: {  	v10 =	vadd.s32 v10, v11;
	v11 =	vld [tilespmem:s8+$0xFFFFFFC0]  }
0x46: {  	v59 =	vld [tilespmem:s8+$0xFFFFFFF0]  }
0x47: {  	v20 =	vld.idx.msk [tilespmem:v4+s26+$0xFFFFFE90 ss:$0x1], $0xffff;
	v12 =	vshll.u32 v12, $0x3  }
0x48: {  	v10 =	vadd.s32 v12, v10;
	v12 =	vshll.u32 v14, $0x7;
	v14 =	vshll.u32 v15, $0x7;
	v15 =	vld [tilespmem:s8+$0xFFFFFFD0]  }
0x49: {  	v21 =	vld.idx.msk [tilespmem:v5+s26+$0xFFFFFE90 ss:$0x1], $0xffff;
	v16 =	vshll.u32 v16, $0x7;
	v17 =	vshll.u32 v17, $0x7;
	v13 =	vshll.u32 v13, $0x7  }
0x4a: {  	v61 =	vadd.s32 v0, v10;
	v10 =	vshll.u32 v11, $0x3;
	v11 =	vadd.s32 v13, v26;
	v13 =	vld [tilespmem:s8+$0x10]  }
0x4b: {  	v60 =	vld [tilespmem:s8+$0x0];
	v18 =	vshll.u32 v18, $0x7;
	v19 =	vshll.u32 v19, $0x7;
	v16 =	vadd.s32 v16, v22  }
0x4c: {  	v17 =	vadd.s32 v17, v23;
	v18 =	vadd.s32 v18, v24;
	v19 =	vadd.s32 v19, v25  }
0x4d: {  	v12 =	vadd.s32 v12, v20;
	v10 =	vadd.s32 v10, v11;
	v11 =	vshll.u32 v15, $0x3;
	v15 =	vld [tilespmem:s8+$0x20]  }
0x4e: {  	v14 =	vadd.s32 v14, v21;
	v62 =	vadd.s32 v0, v10;
	v10 =	vadd.s32 v11, v12  }
0x4f: {  	v11 =	vshll.u32 v58, $0x3;
	v13 =	vshll.u32 v13, $0x3;
	v63 =	vadd.s32 v0, v10  }
0x50: {  	v10 =	vshll.u32 v59, $0x3;
	v11 =	vadd.s32 v11, v14;
	v14 =	vshll.u32 v60, $0x3  }
0x51: {  	v13 =	vadd.s32 v13, v18;
	v12 =	vadd.s32 v10, v16;
	v10 =	vadd.s32 v0, v11  }
0x52: {  	[tilespmem:v61+s6+$0x0] =	vst.idx.add.f32.msk $0xffff, v1;
	v11 =	vadd.s32 v0, v12;
	v12 =	vadd.s32 v14, v17;
	v14 =	vshll.u32 v15, $0x3  }
0x53: {  	[tilespmem:v62+s6+$0x0] =	vst.idx.add.f32.msk $0xffff, v1;
	v13 =	vadd.s32 v0, v13;
	v14 =	vadd.s32 v14, v19  }
0x54: {  	s10 =	simm.s32 $0x1F0;
	s9 =	simm.s32 $0x0;
	v12 =	vadd.s32 v0, v12;
	[tilespmem:v63+s6+$0x0] =	vst.idx.add.f32.msk $0xffff, v1;
	v14 =	vadd.s32 v0, v14  }
.LBB2_5:
0x55: {  	v15 =	vld.idx.msk [tilespmem:v2+s10+$0x0 ss:$0x1], $0xffff;
	s9 =	sadd.s32 $0x8, s9  }
0x56: {  	s8 =	sadd.s32 $0x80, s8;
	v16 =	vld.idx.msk [tilespmem:v2+s10+$0xFFFFFF80 ss:$0x1], $0xffff;
	p1 =	slt.u32 s9, $0x198  }
0x57: {  	v17 =	vld [tilespmem:s8+$0x30]  }
0x58: {  	v18 =	vld.idx.msk [tilespmem:v3+s10+$0xFFFFFF90 ss:$0x1], $0xffff  }
0x59: {  	v19 =	vld.idx.msk [tilespmem:v4+s10+$0xFFFFFF10 ss:$0x1], $0xffff  }
0x5a: {  	v20 =	vld.idx.msk [tilespmem:v5+s10+$0xFFFFFF10 ss:$0x1], $0xffff  }
0x5b: {  	v15 =	vshll.u32 v15, $0x7;
	v21 =	vld.idx.msk [tilespmem:v6+s10+$0xFFFFFF10 ss:$0x1], $0xffff  }
0x5c: {  	v15 =	vadd.s32 v15, v16;
	v22 =	vld.idx.msk [tilespmem:v7+s10+$0xFFFFFF10 ss:$0x1], $0xffff;
	v17 =	vshll.u32 v17, $0x3  }
0x5d: {  	v16 =	vld.idx.msk [tilespmem:v8+s10+$0xFFFFFF10 ss:$0x1], $0xffff;
	v15 =	vadd.s32 v17, v15  }
0x5e: {  	v17 =	vshll.u32 v18, $0x7;
	v18 =	vld.idx.msk [tilespmem:v9+s10+$0xFFFFFF10 ss:$0x1], $0xffff;
	v15 =	vadd.s32 v0, v15  }
0x5f: {  	v19 =	vshll.u32 v19, $0x7;
	v23 =	vld.idx.msk [tilespmem:v4+s10+$0xFFFFFE90 ss:$0x1], $0xffff  }
0x60: {  	v20 =	vshll.u32 v20, $0x7;
	v24 =	vld.idx.msk [tilespmem:v5+s10+$0xFFFFFE90 ss:$0x1], $0xffff  }
0x61: {  	v21 =	vshll.u32 v21, $0x7;
	v25 =	vld.idx.msk [tilespmem:v6+s10+$0xFFFFFE90 ss:$0x1], $0xffff  }
0x62: {  	v22 =	vshll.u32 v22, $0x7;
	v26 =	vld.idx.msk [tilespmem:v7+s10+$0xFFFFFE90 ss:$0x1], $0xffff  }
0x63: {  	v16 =	vshll.u32 v16, $0x7;
	[tilespmem:v15+s6+$0x0] =	vst.idx.add.f32.msk $0xffff, v1  }
0x64: {  	v18 =	vshll.u32 v18, $0x7;
	v15 =	vld.idx.msk [tilespmem:v8+s10+$0xFFFFFE90 ss:$0x1], $0xffff  }
0x65: {  	v19 =	vadd.s32 v19, v23;
	v23 =	vld.idx.msk [tilespmem:v9+s10+$0xFFFFFE90 ss:$0x1], $0xffff  }
0x66: {  	v20 =	vadd.s32 v20, v24;
	v27 =	vld.idx.msk [tilespmem:v3+s10+$0xFFFFFF10 ss:$0x1], $0xffff  }
0x67: {  	v21 =	vadd.s32 v21, v25;
	v24 =	vld [tilespmem:s8+$0xFFFFFFC0]  }
0x68: {  	v22 =	vadd.s32 v22, v26;
	v25 =	vld [tilespmem:s8+$0xFFFFFFD0]  }
0x69: {  	v26 =	vld [tilespmem:s8+$0xFFFFFFE0]  }
0x6a: {  	v15 =	vadd.s32 v16, v15;
	v28 =	vld [tilespmem:s8+$0xFFFFFFF0]  }
0x6b: {  	v18 =	vadd.s32 v18, v23;
	v16 =	vld [tilespmem:s8+$0x0]  }
0x6c: {  	v17 =	vadd.s32 v17, v27;
	v23 =	vshll.u32 v24, $0x3;
	v24 =	vld [tilespmem:s8+$0x10]  }
0x6d: {  	v17 =	vadd.s32 v23, v17;
	v23 =	vshll.u32 v25, $0x3;
	v25 =	vld [tilespmem:s8+$0x20]  }
0x6e: {  	v17 =	vadd.s32 v0, v17;
	v19 =	vadd.s32 v23, v19;
	v23 =	vshll.u32 v26, $0x3;
	[tilespmem:v10+s6+$0x0] =	vst.idx.add.f32.msk $0xffff, v1  }
0x6f: {  	v19 =	vadd.s32 v0, v19;
	v10 =	vadd.s32 v23, v20;
	v20 =	vshll.u32 v28, $0x3;
	[tilespmem:v11+s6+$0x0] =	vst.idx.add.f32.msk $0xffff, v1  }
.Ltmp1:
0x70: {  	v10 =	vadd.s32 v0, v10;
	v11 =	vadd.s32 v20, v21;
	v16 =	vshll.u32 v16, $0x3;
	[tilespmem:v12+s6+$0x0] =	vst.idx.add.f32.msk $0xffff, v1;
	(pc) =	sbr.rel @p1 .LBB2_5-.Ltmp1, $4  }
0x71: {  	v11 =	vadd.s32 v0, v11;
	v12 =	vadd.s32 v16, v22;
	v16 =	vshll.u32 v24, $0x3;
	[tilespmem:v13+s6+$0x0] =	vst.idx.add.f32.msk $0xffff, v1  }
0x72: {  	v12 =	vadd.s32 v0, v12;
	v13 =	vadd.s32 v16, v15;
	v15 =	vshll.u32 v25, $0x3;
	[tilespmem:v14+s6+$0x0] =	vst.idx.add.f32.msk $0xffff, v1  }
0x73: {  	[tilespmem:v17+s6+$0x0] =	vst.idx.add.f32.msk $0xffff, v1;
	v13 =	vadd.s32 v0, v13;
	v14 =	vadd.s32 v15, v18  }
0x74: {  	s10 =	sadd.s32 $0x100, s10;
	[tilespmem:v19+s6+$0x0] =	vst.idx.add.f32.msk $0xffff, v1;
	v14 =	vadd.s32 v0, v14  }
0x75: {  	_ =	sdelay $0x3  }
0x76: {  	[tilespmem:v10+s6+$0x0] =	vst.idx.add.f32.msk $0xffff, v1  }
0x77: {  	[tilespmem:v11+s6+$0x0] =	vst.idx.add.f32.msk $0xffff, v1  }
0x78: {  	[tilespmem:v12+s6+$0x0] =	vst.idx.add.f32.msk $0xffff, v1  }
0x79: {  	[tilespmem:v13+s6+$0x0] =	vst.idx.add.f32.msk $0xffff, v1  }
0x7a: {  	[tilespmem:v14+s6+$0x0] =	vst.idx.add.f32.msk $0xffff, v1  }
0x7b: {  	p1 =	seq.s32 s7, $0x3  }
.Ltmp2:
0x7c: {  	_ = 	snop;
	(pc) =	sbr.rel @!p1 .LBB2_4-.Ltmp2, $2  }
0x7d: {  	_ =	sdelay $0x2  }
0x7e: {  	p0 =	por !p0, !p0  }
0x7f: {  	p0 =	sne.s32 s4, $0x0  }
.Ltmp3:
0x80: {  	_ = 	snop;
	(pc) =	sbr.rel @p0 .LBB2_11-.Ltmp3, $2  }
0x81: {  	_ =	sdelay $0x2  }
0x82: {  	s4 =	sshll.u32 s4, $0x8  }
0x83: {  	s3 =	sadd.s32 $0x27000, s3;
	s5 =	simm.s32 $0x0  }
0x84: {  	[tilespmem:s5], [sflag:$0x1] =	stream.linear.gather [hbm4b:s3+s5], $0x400, $0x38;
	[tilespmem:$0xE000] =	vst v63  }
0x85: {  	s2 =	sadd.s32 $0x13800, s2;
	s15 =	simm.s32 $0x6800;
	s16 =	simm.s32 $0x1  }
0x86: {  	[tilespmem:s15], [sflag:$0x1] =	stream.linear.gather [hbm4b:s2+s5], $0x200, $0x38;
	[tilespmem:$0xE000] =	vst v63  }
0x87: {  	_ =	swait.ge [sflag:s16], $0x400  }
0x88: {  	[sflag:s16] =	ssyncset.done $0x0  }
0x89: {  	[sflag:s16] =	ssyncadd.s32 $0xFFFFFC00  }
0x8a: {  	s6 =	sand.u32 $0x60, s5;
	_ =	swait.ge [sflag:s16], $0x200  }
0x8b: {  	s7 =	sand.u32 $0x300, s5;
	s8 =	sor.u32 $0x10, s6;
	[sflag:s16] =	ssyncset.done $0x0  }
0x8c: {  	s17 =	sor.u32 s8, s7;
	[sflag:s16] =	ssyncadd.s32 $0xFFFFFE00  }
0x8d: {  	s5 =	sand.u32 $0x180, s5;
	v1 =	vld [tilespmem:s17+$0x0]  }
0x8e: {  	s18 =	sor.u32 s8, s5;
	v0 =	vld [tilespmem:s17+$0x80]  }
0x8f: {  	v2 =	vld [tilespmem:s18+$0x6800];
	_ =	sdelay $0x1  }
0x90: {  	s20 =	simm.s32 $0x20  }
0x91: {  	s22 =	simm.s32 $0x40;
	s21 =	sand.u32 $0x60, s20;
	s19 =	sor.u32 s6, s7;
	v4 =	vld [tilespmem:s15+$0x0]  }
0x92: {  	v3 =	vlaneseq.u32;
	s6 =	sand.u32 $0x300, s22;
	s24 =	sor.u32 $0x10, s21;
	v5 =	vld [tilespmem:s19+$0x80];
	v6 =	vshll.u32 v0, $0x7  }
0x93: {  	s25 =	sor.u32 s24, s6;
	v7 =	vld [tilespmem:s19+$0x0];
	v0 =	vmul.u32 $0x400, v3;
	v2 =	vshll.u32 v2, $0x3;
	v1 =	vadd.s32 v6, v1  }
0x94: {  	s3 =	sand.u32 $0x180, s20;
	v8 =	vld [tilespmem:s25+$0x0];
	v1 =	vadd.s32 v2, v1  }
0x95: {  	s26 =	sor.u32 s24, s3;
	v9 =	vld [tilespmem:s25+$0x80];
	v2 =	vadd.s32 v0, v1  }
0x96: {  	s28 =	sor.u32 s21, s6;
	v10 =	vld [tilespmem:s26+$0x6800]  }
0x97: {  	v11 =	vld [tilespmem:s28+$0x80]  }
0x98: {  	s23 =	simm.s32 $0x6820;
	v12 =	vld [tilespmem:s28+$0x0]  }
0x99: {  	s29 =	simm.s32 $0x40;
	s2 =	simm.s32 $0x9C00;
	v6 =	vld [tilespmem:s23+$0x0];
	v1 =	vimm.f32 $1.000000000e+00  }
0x9a: {  	s30 =	sand.u32 $0x60, s29;
	s3 =	simm.s32 $0x80;
	[tilespmem:v2+s2+$0x0] =	vst.idx.add.f32.msk $0xffff, v1;
	v2 =	vshll.u32 v5, $0x7  }
0x9b: {  	s9 =	sor.u32 $0x10, s30;
	s5 =	simm.s32 $0x6840;
	s31 =	sand.u32 $0x300, s3;
	v4 =	vshll.u32 v4, $0x3;
	v5 =	vshll.u32 v9, $0x7;
	v13 =	vadd.s32 v2, v7  }
0x9c: {  	s10 =	sor.u32 s9, s31;
	v3 =	vld [tilespmem:s5+$0x0];
	v9 =	vshll.u32 v10, $0x3;
	v8 =	vadd.s32 v5, v8;
	v4 =	vadd.s32 v4, v13  }
0x9d: {  	s6 =	sand.u32 $0x180, s29;
	v2 =	vld [tilespmem:s10+$0x0];
	v9 =	vadd.s32 v9, v8;
	v4 =	vadd.s32 v0, v4  }
0x9e: {  	s6 =	sor.u32 s9, s6;
	v7 =	vshll.u32 v11, $0x7;
	v5 =	vld [tilespmem:s10+$0x80];
	v9 =	vadd.s32 v0, v9  }
0x9f: {  	s7 =	sor.u32 s30, s31;
	v6 =	vshll.u32 v6, $0x3;
	v10 =	vadd.s32 v7, v12;
	v7 =	vld [tilespmem:s6+$0x6800]  }
0xa0: {  	v8 =	vld [tilespmem:s7+$0x80];
	v6 =	vadd.s32 v6, v10  }
0xa1: {  	s6 =	simm.s32 $0x4;
	v10 =	vadd.s32 v0, v6;
	v6 =	vld [tilespmem:s7+$0x0];
	s7 =	simm.s32 $0x60  }
.LBB2_9:
0xa2: {  	s8 =	sand.u32 $0x60, s7;
	s3 =	sadd.s32 $0x40, s3;
	s5 =	sadd.s32 $0x20, s5;
	[tilespmem:v4+s2+$0x0] =	vst.idx.add.f32.msk $0xffff, v1;
	v4 =	vmov v10  }
0xa3: {  	s6 =	sadd.s32 $0x2, s6;
	s9 =	sand.u32 $0x300, s3;
	s10 =	sor.u32 $0x10, s8;
	v5 =	vshll.u32 v5, $0x7;
	[tilespmem:v9+s2+$0x0] =	vst.idx.add.f32.msk $0xffff, v1  }
0xa4: {  	p1 =	slt.u32 s6, $0x1E;
	s8 =	sor.u32 s8, s9;
	v11 =	vld [tilespmem:s5+$0x0];
	s9 =	sor.u32 s10, s9;
	v7 =	vshll.u32 v7, $0x3;
	v5 =	vadd.s32 v5, v2  }
.Ltmp4:
0xa5: {  	s11 =	sand.u32 $0x180, s7;
	v2 =	vld [tilespmem:s9+$0x0];
	v8 =	vshll.u32 v8, $0x7;
	v7 =	vadd.s32 v7, v5;
	(pc) =	sbr.rel @p1 .LBB2_9-.Ltmp4, $4  }
0xa6: {  	v3 =	vshll.u32 v3, $0x3;
	v5 =	vld [tilespmem:s9+$0x80];
	s9 =	sor.u32 s10, s11;
	v6 =	vadd.s32 v8, v6;
	v9 =	vadd.s32 v0, v7  }
0xa7: {  	v7 =	vld [tilespmem:s9+$0x6800];
	v12 =	vadd.s32 v3, v6  }
0xa8: {  	v8 =	vld [tilespmem:s8+$0x80];
	v10 =	vadd.s32 v0, v12  }
0xa9: {  	s7 =	sadd.s32 $0x20, s7;
	v6 =	vld [tilespmem:s8+$0x0];
	v3 =	vmov v11  }
0xaa: {  	_ =	sdelay $0x1  }
0xab: {  	v5 =	vshll.u32 v5, $0x7  }
0xac: {  	v7 =	vshll.u32 v7, $0x3;
	v2 =	vadd.s32 v5, v2;
	v62 =	vshll.u32 v8, $0x7  }
0xad: {  	v3 =	vshll.u32 v3, $0x3;
	v2 =	vadd.s32 v7, v2;
	v5 =	vadd.s32 v62, v6  }
0xae: {  	v2 =	vadd.s32 v0, v2;
	v3 =	vadd.s32 v3, v5  }
0xaf: {  	v63 =	vadd.s32 v0, v3  }
0xb0: {  	[tilespmem:v4+s2+$0x0] =	vst.idx.add.f32.msk $0xffff, v1  }
0xb1: {  	[tilespmem:v9+s2+$0x0] =	vst.idx.add.f32.msk $0xffff, v1  }
0xb2: {  	[tilespmem:v10+s2+$0x0] =	vst.idx.add.f32.msk $0xffff, v1  }
0xb3: {  	[tilespmem:v2+s2+$0x0] =	vst.idx.add.f32.msk $0xffff, v1  }
0xb4: {  	[tilespmem:v63+s2+$0x0] =	vst.idx.add.f32.msk $0xffff, v1  }
.LBB2_11:
0xb5: {  	s2 =	simm.s32 $0x0  }
0xb6: {  	v0 =	vld [tilespmem:s2+$0x9C00]  }
0xb7: {  	v1 =	vld [tilespmem:s2+$0xA000];
	_ =	sdelay $0x1  }
0xb8: {  	v2 =	vld [tilespmem:s2+$0xA400];
	_ =	sdelay $0x1  }
0xb9: {  	v3 =	vld [tilespmem:s2+$0xA800]  }
0xba: {  	v0 =	vadd.f32 v1, v0  }
0xbb: {  	v1 =	vld [tilespmem:s2+$0xAC00]  }
0xbc: {  	v0 =	vadd.f32 v2, v0  }
0xbd: {  	v2 =	vld [tilespmem:s2+$0xB000]  }
0xbe: {  	v0 =	vadd.f32 v3, v0  }
0xbf: {  	v3 =	vld [tilespmem:s2+$0xB400]  }
0xc0: {  	v0 =	vadd.f32 v1, v0  }
0xc1: {  	v1 =	vld [tilespmem:s2+$0xB800]  }
0xc2: {  	s3 =	simm.s32 $0x10;
	v4 =	vld [tilespmem:s2+$0xBC00];
	v0 =	vadd.f32 v2, v0  }
0xc3: {  	v5 =	vld [tilespmem:s3+$0x9C00]  }
0xc4: {  	v2 =	vld [tilespmem:s2+$0xC000];
	v0 =	vadd.f32 v3, v0  }
0xc5: {  	v3 =	vld [tilespmem:s3+$0xA000]  }
0xc6: {  	v6 =	vld [tilespmem:s3+$0xA400];
	v0 =	vadd.f32 v1, v0  }
0xc7: {  	v1 =	vld [tilespmem:s2+$0xC400]  }
0xc8: {  	v7 =	vld [tilespmem:s3+$0xA800];
	v0 =	vadd.f32 v4, v0  }
0xc9: {  	v4 =	vld [tilespmem:s2+$0xC800]  }
0xca: {  	v3 =	vadd.f32 v3, v5;
	v5 =	vld [tilespmem:s3+$0xAC00];
	v0 =	vadd.f32 v2, v0  }
0xcb: {  	v2 =	vld [tilespmem:s2+$0xCC00]  }
0xcc: {  	v3 =	vadd.f32 v6, v3;
	v6 =	vld [tilespmem:s2+$0xD000];
	v0 =	vadd.f32 v1, v0  }
0xcd: {  	v1 =	vld [tilespmem:s3+$0xB000]  }
0xce: {  	v8 =	vld [tilespmem:s3+$0xB400];
	v3 =	vadd.f32 v7, v3;
	v0 =	vadd.f32 v4, v0  }
0xcf: {  	v7 =	vld [tilespmem:s2+$0xD400]  }
0xd0: {  	v4 =	vadd.f32 v5, v3;
	v3 =	vld [tilespmem:s3+$0xB800];
	v2 =	vadd.f32 v2, v0  }
0xd1: {  	s6 =	simm.s32 $0x20;
	v0 =	vld [tilespmem:s2+$0xD800]  }
0xd2: {  	v5 =	vld [tilespmem:s6+$0x9C00];
	v9 =	vadd.f32 v1, v4;
	v2 =	vadd.f32 v6, v2  }
0xd3: {  	s1 =	sadd.s32 s1, s4;
	v4 =	vld [tilespmem:s3+$0xBC00]  }
0xd4: {  	s7 =	simm.s32 $0xC0;
	s4 =	simm.s32 $0x10;
	s5 =	simm.s32 $0x0;
	v1 =	vld [tilespmem:s3+$0xC000];
	v6 =	vadd.f32 v8, v9;
	v2 =	vadd.f32 v7, v2  }
.LBB2_12:
0xd5: {  	p1 =	sne.s32 s7, $0x1C0;
	v7 =	vld [tilespmem:s6+$0xA000]  }
0xd6: {  	v3 =	vadd.f32 v3, v6;
	v6 =	vld [tilespmem:s4+$0xC400];
	v0 =	vadd.f32 v0, v2  }
0xd7: {  	v2 =	vld [tilespmem:s6+$0xA400]  }
0xd8: {  	v3 =	vadd.f32 v4, v3;
	v4 =	vld [tilespmem:s4+$0xC800];
	[tilespmem:s5+$0xDC00] =	vst v0;
	s5 =	smov.u32 s4;
	s4 =	smov.u32 s6  }
0xd9: {  	v0 =	vld [tilespmem:s4+$0xA800]  }
0xda: {  	v5 =	vadd.f32 v7, v5;
	v1 =	vadd.f32 v1, v3;
	v3 =	vld [tilespmem:s5+$0xCC00]  }
0xdb: {  	v7 =	vld [tilespmem:s4+$0xAC00]  }
0xdc: {  	v2 =	vadd.f32 v2, v5;
	v1 =	vadd.f32 v6, v1;
	v5 =	vld [tilespmem:s5+$0xD000]  }
0xdd: {  	v6 =	vld [tilespmem:s4+$0xB000]  }
0xde: {  	v0 =	vadd.f32 v0, v2;
	v1 =	vadd.f32 v4, v1;
	v2 =	vld [tilespmem:s5+$0xD400]  }
0xdf: {  	v8 =	vld [tilespmem:s4+$0xB400]  }
.Ltmp5:
0xe0: {  	v4 =	vadd.f32 v7, v0;
	v7 =	vadd.f32 v3, v1;
	v0 =	vld [tilespmem:s5+$0xD800];
	(pc) =	sbr.rel @p1 .LBB2_12-.Ltmp5, $4  }
0xe1: {  	v3 =	vld [tilespmem:s4+$0xB800]  }
0xe2: {  	v6 =	vadd.f32 v6, v4;
	v1 =	vld [tilespmem:s4+$0xC000];
	v7 =	vadd.f32 v5, v7  }
0xe3: {  	s6 =	sshra.s32 s7, $0x2;
	v4 =	vld [tilespmem:s4+$0xBC00]  }
0xe4: {  	s7 =	sadd.s32 $0x40, s7;
	v5 =	vld [tilespmem:s6+$0x9C00];
	v6 =	vadd.f32 v8, v6;
	v2 =	vadd.f32 v2, v7  }
0xe5: {  	v7 =	vld [tilespmem:s6+$0xA000];
	_ =	sdelay $0x1  }
0xe6: {  	v8 =	vld [tilespmem:s6+$0xA400];
	_ =	sdelay $0x1  }
0xe7: {  	v9 =	vld [tilespmem:s6+$0xA800]  }
0xe8: {  	v5 =	vadd.f32 v7, v5  }
0xe9: {  	v7 =	vld [tilespmem:s6+$0xAC00]  }
0xea: {  	v5 =	vadd.f32 v8, v5  }
0xeb: {  	v8 =	vld [tilespmem:s6+$0xB000]  }
0xec: {  	v5 =	vadd.f32 v9, v5  }
0xed: {  	v62 =	vld [tilespmem:s6+$0xB400]  }
0xee: {  	v5 =	vadd.f32 v7, v5  }
0xef: {  	v7 =	vld [tilespmem:s6+$0xB800]  }
0xf0: {  	v5 =	vadd.f32 v8, v5  }
0xf1: {  	v8 =	vld [tilespmem:s6+$0xBC00]  }
0xf2: {  	v5 =	vadd.f32 v62, v5  }
0xf3: {  	v3 =	vadd.f32 v3, v6;
	v6 =	vld [tilespmem:s6+$0xC000]  }
0xf4: {  	v5 =	vadd.f32 v7, v5;
	v7 =	vld [tilespmem:s4+$0xC400]  }
0xf5: {  	v3 =	vadd.f32 v4, v3;
	v4 =	vld [tilespmem:s6+$0xC400]  }
0xf6: {  	v5 =	vadd.f32 v8, v5;
	v8 =	vld [tilespmem:s4+$0xC800]  }
0xf7: {  	v1 =	vadd.f32 v1, v3;
	v3 =	vld [tilespmem:s6+$0xC800]  }
0xf8: {  	v5 =	vadd.f32 v6, v5;
	v6 =	vld [tilespmem:s4+$0xCC00]  }
0xf9: {  	v1 =	vadd.f32 v7, v1;
	v7 =	vld [tilespmem:s6+$0xCC00]  }
0xfa: {  	v4 =	vadd.f32 v4, v5;
	v5 =	vld [tilespmem:s4+$0xD000]  }
0xfb: {  	v1 =	vadd.f32 v8, v1;
	v8 =	vld [tilespmem:s6+$0xD000]  }
0xfc: {  	v3 =	vadd.f32 v3, v4;
	v4 =	vld [tilespmem:s4+$0xD400]  }
0xfd: {  	v1 =	vadd.f32 v6, v1;
	v6 =	vld [tilespmem:s6+$0xD400]  }
0xfe: {  	v3 =	vadd.f32 v7, v3;
	v7 =	vld [tilespmem:s4+$0xD800]  }
0xff: {  	v1 =	vadd.f32 v5, v1;
	v5 =	vld [tilespmem:s6+$0xD800]  }
0x100: {  	v3 =	vadd.f32 v8, v3  }
0x101: {  	v1 =	vadd.f32 v4, v1  }
0x102: {  	v0 =	vadd.f32 v0, v2;
	v2 =	vadd.f32 v6, v3  }
0x103: {  	v1 =	vadd.f32 v7, v1  }
0x104: {  	[tilespmem:s5+$0xDC00] =	vst v0;
	v0 =	vadd.f32 v5, v2  }
0x105: {  	[tilespmem:s4+$0xDC00] =	vst v1  }
0x106: {  	[tilespmem:s6+$0xDC00] =	vst v0  }
0x107: {  	v0 =	vld [tilespmem:s2+$0x9C80]  }
0x108: {  	v1 =	vld [tilespmem:s2+$0xA080];
	_ =	sdelay $0x1  }
0x109: {  	v2 =	vld [tilespmem:s2+$0xA480];
	_ =	sdelay $0x1  }
0x10a: {  	v3 =	vld [tilespmem:s2+$0xA880]  }
0x10b: {  	v0 =	vadd.f32 v1, v0  }
0x10c: {  	v1 =	vld [tilespmem:s2+$0xAC80]  }
0x10d: {  	v0 =	vadd.f32 v2, v0  }
0x10e: {  	v2 =	vld [tilespmem:s2+$0xB080]  }
0x10f: {  	v0 =	vadd.f32 v3, v0  }
0x110: {  	v3 =	vld [tilespmem:s2+$0xB480]  }
0x111: {  	v0 =	vadd.f32 v1, v0  }
0x112: {  	v1 =	vld [tilespmem:s2+$0xB880]  }
0x113: {  	v4 =	vld [tilespmem:s2+$0xBC80];
	v0 =	vadd.f32 v2, v0  }
0x114: {  	v5 =	vld [tilespmem:s3+$0x9C80]  }
0x115: {  	v2 =	vld [tilespmem:s2+$0xC080];
	v0 =	vadd.f32 v3, v0  }
0x116: {  	v3 =	vld [tilespmem:s3+$0xA080]  }
0x117: {  	v6 =	vld [tilespmem:s3+$0xA480];
	v0 =	vadd.f32 v1, v0  }
0x118: {  	v1 =	vld [tilespmem:s2+$0xC480]  }
0x119: {  	v7 =	vld [tilespmem:s3+$0xA880];
	v0 =	vadd.f32 v4, v0  }
0x11a: {  	v4 =	vld [tilespmem:s2+$0xC880]  }
0x11b: {  	v3 =	vadd.f32 v3, v5;
	v5 =	vld [tilespmem:s3+$0xAC80];
	v0 =	vadd.f32 v2, v0  }
0x11c: {  	v2 =	vld [tilespmem:s2+$0xCC80]  }
0x11d: {  	v3 =	vadd.f32 v6, v3;
	v6 =	vld [tilespmem:s2+$0xD080];
	v0 =	vadd.f32 v1, v0  }
0x11e: {  	v1 =	vld [tilespmem:s3+$0xB080]  }
0x11f: {  	v8 =	vld [tilespmem:s3+$0xB480];
	v3 =	vadd.f32 v7, v3;
	v0 =	vadd.f32 v4, v0  }
0x120: {  	v7 =	vld [tilespmem:s2+$0xD480]  }
0x121: {  	v4 =	vadd.f32 v5, v3;
	v3 =	vld [tilespmem:s3+$0xB880];
	v2 =	vadd.f32 v2, v0  }
0x122: {  	s4 =	simm.s32 $0x20;
	v0 =	vld [tilespmem:s2+$0xD880]  }
0x123: {  	v5 =	vld [tilespmem:s4+$0x9C80];
	v63 =	vadd.f32 v1, v4;
	v2 =	vadd.f32 v6, v2  }
0x124: {  	v4 =	vld [tilespmem:s3+$0xBC80]  }
0x125: {  	s5 =	simm.s32 $0xC0;
	v1 =	vld [tilespmem:s3+$0xC080];
	v6 =	vadd.f32 v8, v63;
	v2 =	vadd.f32 v7, v2  }
.LBB2_14:
0x126: {  	p1 =	sne.s32 s5, $0x1C0;
	v7 =	vld [tilespmem:s4+$0xA080]  }
0x127: {  	v3 =	vadd.f32 v3, v6;
	v6 =	vld [tilespmem:s3+$0xC480];
	v0 =	vadd.f32 v0, v2  }
0x128: {  	v2 =	vld [tilespmem:s4+$0xA480]  }
0x129: {  	v3 =	vadd.f32 v4, v3;
	v4 =	vld [tilespmem:s3+$0xC880];
	[tilespmem:s2+$0xDC80] =	vst v0;
	s2 =	smov.u32 s3;
	s3 =	smov.u32 s4  }
0x12a: {  	v0 =	vld [tilespmem:s3+$0xA880]  }
0x12b: {  	v5 =	vadd.f32 v7, v5;
	v1 =	vadd.f32 v1, v3;
	v3 =	vld [tilespmem:s2+$0xCC80]  }
0x12c: {  	v7 =	vld [tilespmem:s3+$0xAC80]  }
0x12d: {  	v2 =	vadd.f32 v2, v5;
	v1 =	vadd.f32 v6, v1;
	v5 =	vld [tilespmem:s2+$0xD080]  }
0x12e: {  	v6 =	vld [tilespmem:s3+$0xB080]  }
0x12f: {  	v0 =	vadd.f32 v0, v2;
	v1 =	vadd.f32 v4, v1;
	v2 =	vld [tilespmem:s2+$0xD480]  }
0x130: {  	v8 =	vld [tilespmem:s3+$0xB480]  }
.Ltmp6:
0x131: {  	v4 =	vadd.f32 v7, v0;
	v7 =	vadd.f32 v3, v1;
	v0 =	vld [tilespmem:s2+$0xD880];
	(pc) =	sbr.rel @p1 .LBB2_14-.Ltmp6, $4  }
0x132: {  	v3 =	vld [tilespmem:s3+$0xB880]  }
0x133: {  	v6 =	vadd.f32 v6, v4;
	v1 =	vld [tilespmem:s3+$0xC080];
	v7 =	vadd.f32 v5, v7  }
0x134: {  	s4 =	sshra.s32 s5, $0x2;
	v4 =	vld [tilespmem:s3+$0xBC80]  }
0x135: {  	s5 =	sadd.s32 $0x40, s5;
	v5 =	vld [tilespmem:s4+$0x9C80];
	v6 =	vadd.f32 v8, v6;
	v2 =	vadd.f32 v2, v7  }
0x136: {  	v7 =	vld [tilespmem:s4+$0xA080];
	_ =	sdelay $0x1  }
0x137: {  	v8 =	vld [tilespmem:s4+$0xA480];
	_ =	sdelay $0x1  }
0x138: {  	v9 =	vld [tilespmem:s4+$0xA880]  }
0x139: {  	v5 =	vadd.f32 v7, v5  }
0x13a: {  	v7 =	vld [tilespmem:s4+$0xAC80]  }
0x13b: {  	v5 =	vadd.f32 v8, v5  }
0x13c: {  	v8 =	vld [tilespmem:s4+$0xB080]  }
0x13d: {  	v5 =	vadd.f32 v9, v5  }
0x13e: {  	v62 =	vld [tilespmem:s4+$0xB480]  }
0x13f: {  	v5 =	vadd.f32 v7, v5  }
0x140: {  	v7 =	vld [tilespmem:s4+$0xB880]  }
0x141: {  	v5 =	vadd.f32 v8, v5  }
0x142: {  	v8 =	vld [tilespmem:s4+$0xBC80]  }
0x143: {  	v5 =	vadd.f32 v62, v5  }
0x144: {  	v3 =	vadd.f32 v3, v6;
	v6 =	vld [tilespmem:s4+$0xC080]  }
0x145: {  	v5 =	vadd.f32 v7, v5;
	v7 =	vld [tilespmem:s3+$0xC480]  }
0x146: {  	v3 =	vadd.f32 v4, v3;
	v4 =	vld [tilespmem:s4+$0xC480]  }
0x147: {  	v5 =	vadd.f32 v8, v5;
	v8 =	vld [tilespmem:s3+$0xC880]  }
0x148: {  	v1 =	vadd.f32 v1, v3;
	v3 =	vld [tilespmem:s4+$0xC880]  }
0x149: {  	v5 =	vadd.f32 v6, v5;
	v6 =	vld [tilespmem:s3+$0xCC80]  }
0x14a: {  	v1 =	vadd.f32 v7, v1;
	v7 =	vld [tilespmem:s4+$0xCC80]  }
0x14b: {  	v4 =	vadd.f32 v4, v5;
	v5 =	vld [tilespmem:s3+$0xD080]  }
0x14c: {  	v1 =	vadd.f32 v8, v1;
	v8 =	vld [tilespmem:s4+$0xD080]  }
0x14d: {  	v3 =	vadd.f32 v3, v4;
	v4 =	vld [tilespmem:s3+$0xD480]  }
0x14e: {  	v1 =	vadd.f32 v6, v1;
	v6 =	vld [tilespmem:s4+$0xD480]  }
0x14f: {  	v3 =	vadd.f32 v7, v3;
	v7 =	vld [tilespmem:s3+$0xD880]  }
0x150: {  	v1 =	vadd.f32 v5, v1;
	v5 =	vld [tilespmem:s4+$0xD880]  }
0x151: {  	v3 =	vadd.f32 v8, v3  }
0x152: {  	v1 =	vadd.f32 v4, v1  }
0x153: {  	v0 =	vadd.f32 v0, v2;
	v2 =	vadd.f32 v6, v3  }
0x154: {  	v1 =	vadd.f32 v7, v1  }
0x155: {  	[tilespmem:s2+$0xDC80] =	vst v0;
	v0 =	vadd.f32 v5, v2  }
0x156: {  	[tilespmem:s3+$0xDC80] =	vst v1  }
0x157: {  	s2 =	simm.s32 $0x0;
	[tilespmem:s4+$0xDC80] =	vst v0  }
0x158: {  	v0 =	vld [tilespmem:s2+$0x9D00]  }
0x159: {  	v1 =	vld [tilespmem:s2+$0xA100];
	_ =	sdelay $0x1  }
0x15a: {  	v2 =	vld [tilespmem:s2+$0xA500];
	_ =	sdelay $0x1  }
0x15b: {  	v3 =	vld [tilespmem:s2+$0xA900]  }
0x15c: {  	v0 =	vadd.f32 v1, v0  }
0x15d: {  	v1 =	vld [tilespmem:s2+$0xAD00]  }
0x15e: {  	v0 =	vadd.f32 v2, v0  }
0x15f: {  	v2 =	vld [tilespmem:s2+$0xB100]  }
0x160: {  	v0 =	vadd.f32 v3, v0  }
0x161: {  	v3 =	vld [tilespmem:s2+$0xB500]  }
0x162: {  	v0 =	vadd.f32 v1, v0  }
0x163: {  	v1 =	vld [tilespmem:s2+$0xB900]  }
0x164: {  	s3 =	simm.s32 $0x10;
	v4 =	vld [tilespmem:s2+$0xBD00];
	v0 =	vadd.f32 v2, v0  }
0x165: {  	v5 =	vld [tilespmem:s3+$0x9D00]  }
0x166: {  	v2 =	vld [tilespmem:s2+$0xC100];
	v0 =	vadd.f32 v3, v0  }
0x167: {  	v3 =	vld [tilespmem:s3+$0xA100]  }
0x168: {  	v6 =	vld [tilespmem:s3+$0xA500];
	v0 =	vadd.f32 v1, v0  }
0x169: {  	v1 =	vld [tilespmem:s2+$0xC500]  }
0x16a: {  	v7 =	vld [tilespmem:s3+$0xA900];
	v0 =	vadd.f32 v4, v0  }
0x16b: {  	v4 =	vld [tilespmem:s2+$0xC900]  }
0x16c: {  	v3 =	vadd.f32 v3, v5;
	v5 =	vld [tilespmem:s3+$0xAD00];
	v0 =	vadd.f32 v2, v0  }
0x16d: {  	v2 =	vld [tilespmem:s2+$0xCD00]  }
0x16e: {  	v3 =	vadd.f32 v6, v3;
	v6 =	vld [tilespmem:s2+$0xD100];
	v0 =	vadd.f32 v1, v0  }
0x16f: {  	v1 =	vld [tilespmem:s3+$0xB100]  }
0x170: {  	v8 =	vld [tilespmem:s3+$0xB500];
	v3 =	vadd.f32 v7, v3;
	v0 =	vadd.f32 v4, v0  }
0x171: {  	v7 =	vld [tilespmem:s2+$0xD500]  }
0x172: {  	v4 =	vadd.f32 v5, v3;
	v3 =	vld [tilespmem:s3+$0xB900];
	v2 =	vadd.f32 v2, v0  }
0x173: {  	s4 =	simm.s32 $0x20;
	v0 =	vld [tilespmem:s2+$0xD900]  }
0x174: {  	v5 =	vld [tilespmem:s4+$0x9D00];
	v63 =	vadd.f32 v1, v4;
	v2 =	vadd.f32 v6, v2  }
0x175: {  	v4 =	vld [tilespmem:s3+$0xBD00]  }
0x176: {  	s5 =	simm.s32 $0xC0;
	v1 =	vld [tilespmem:s3+$0xC100];
	v6 =	vadd.f32 v8, v63;
	v2 =	vadd.f32 v7, v2  }
.LBB2_16:
0x177: {  	p1 =	sne.s32 s5, $0x1C0;
	v7 =	vld [tilespmem:s4+$0xA100]  }
0x178: {  	v3 =	vadd.f32 v3, v6;
	v6 =	vld [tilespmem:s3+$0xC500];
	v0 =	vadd.f32 v0, v2  }
0x179: {  	v2 =	vld [tilespmem:s4+$0xA500]  }
0x17a: {  	v3 =	vadd.f32 v4, v3;
	v4 =	vld [tilespmem:s3+$0xC900];
	[tilespmem:s2+$0xDD00] =	vst v0;
	s2 =	smov.u32 s3;
	s3 =	smov.u32 s4  }
0x17b: {  	v0 =	vld [tilespmem:s3+$0xA900]  }
0x17c: {  	v5 =	vadd.f32 v7, v5;
	v1 =	vadd.f32 v1, v3;
	v3 =	vld [tilespmem:s2+$0xCD00]  }
0x17d: {  	v7 =	vld [tilespmem:s3+$0xAD00]  }
0x17e: {  	v2 =	vadd.f32 v2, v5;
	v1 =	vadd.f32 v6, v1;
	v5 =	vld [tilespmem:s2+$0xD100]  }
0x17f: {  	v6 =	vld [tilespmem:s3+$0xB100]  }
0x180: {  	v0 =	vadd.f32 v0, v2;
	v1 =	vadd.f32 v4, v1;
	v2 =	vld [tilespmem:s2+$0xD500]  }
0x181: {  	v8 =	vld [tilespmem:s3+$0xB500]  }
.Ltmp7:
0x182: {  	v4 =	vadd.f32 v7, v0;
	v7 =	vadd.f32 v3, v1;
	v0 =	vld [tilespmem:s2+$0xD900];
	(pc) =	sbr.rel @p1 .LBB2_16-.Ltmp7, $4  }
0x183: {  	v3 =	vld [tilespmem:s3+$0xB900]  }
0x184: {  	v6 =	vadd.f32 v6, v4;
	v1 =	vld [tilespmem:s3+$0xC100];
	v7 =	vadd.f32 v5, v7  }
0x185: {  	s4 =	sshra.s32 s5, $0x2;
	v4 =	vld [tilespmem:s3+$0xBD00]  }
0x186: {  	s5 =	sadd.s32 $0x40, s5;
	v5 =	vld [tilespmem:s4+$0x9D00];
	v6 =	vadd.f32 v8, v6;
	v2 =	vadd.f32 v2, v7  }
0x187: {  	v7 =	vld [tilespmem:s4+$0xA100];
	_ =	sdelay $0x1  }
0x188: {  	v8 =	vld [tilespmem:s4+$0xA500];
	_ =	sdelay $0x1  }
0x189: {  	v9 =	vld [tilespmem:s4+$0xA900]  }
0x18a: {  	v5 =	vadd.f32 v7, v5  }
0x18b: {  	v7 =	vld [tilespmem:s4+$0xAD00]  }
0x18c: {  	v5 =	vadd.f32 v8, v5  }
0x18d: {  	v8 =	vld [tilespmem:s4+$0xB100]  }
0x18e: {  	v5 =	vadd.f32 v9, v5  }
0x18f: {  	v62 =	vld [tilespmem:s4+$0xB500]  }
0x190: {  	v5 =	vadd.f32 v7, v5  }
0x191: {  	v7 =	vld [tilespmem:s4+$0xB900]  }
0x192: {  	v5 =	vadd.f32 v8, v5  }
0x193: {  	v8 =	vld [tilespmem:s4+$0xBD00]  }
0x194: {  	v5 =	vadd.f32 v62, v5  }
0x195: {  	v3 =	vadd.f32 v3, v6;
	v6 =	vld [tilespmem:s4+$0xC100]  }
0x196: {  	v5 =	vadd.f32 v7, v5;
	v7 =	vld [tilespmem:s3+$0xC500]  }
0x197: {  	v3 =	vadd.f32 v4, v3;
	v4 =	vld [tilespmem:s4+$0xC500]  }
0x198: {  	v5 =	vadd.f32 v8, v5;
	v8 =	vld [tilespmem:s3+$0xC900]  }
0x199: {  	v1 =	vadd.f32 v1, v3;
	v3 =	vld [tilespmem:s4+$0xC900]  }
0x19a: {  	v5 =	vadd.f32 v6, v5;
	v6 =	vld [tilespmem:s3+$0xCD00]  }
0x19b: {  	v1 =	vadd.f32 v7, v1;
	v7 =	vld [tilespmem:s4+$0xCD00]  }
0x19c: {  	v4 =	vadd.f32 v4, v5;
	v5 =	vld [tilespmem:s3+$0xD100]  }
0x19d: {  	v1 =	vadd.f32 v8, v1;
	v8 =	vld [tilespmem:s4+$0xD100]  }
0x19e: {  	v3 =	vadd.f32 v3, v4;
	v4 =	vld [tilespmem:s3+$0xD500]  }
0x19f: {  	v1 =	vadd.f32 v6, v1;
	v6 =	vld [tilespmem:s4+$0xD500]  }
0x1a0: {  	v3 =	vadd.f32 v7, v3;
	v7 =	vld [tilespmem:s3+$0xD900]  }
0x1a1: {  	v1 =	vadd.f32 v5, v1;
	v5 =	vld [tilespmem:s4+$0xD900]  }
0x1a2: {  	v3 =	vadd.f32 v8, v3  }
0x1a3: {  	v1 =	vadd.f32 v4, v1  }
0x1a4: {  	v0 =	vadd.f32 v0, v2;
	v2 =	vadd.f32 v6, v3  }
0x1a5: {  	v1 =	vadd.f32 v7, v1  }
0x1a6: {  	[tilespmem:s2+$0xDD00] =	vst v0;
	v0 =	vadd.f32 v5, v2  }
0x1a7: {  	[tilespmem:s3+$0xDD00] =	vst v1  }
0x1a8: {  	s2 =	simm.s32 $0x0;
	[tilespmem:s4+$0xDD00] =	vst v0  }
0x1a9: {  	v0 =	vld [tilespmem:s2+$0x9D80]  }
0x1aa: {  	v1 =	vld [tilespmem:s2+$0xA180];
	_ =	sdelay $0x1  }
0x1ab: {  	v2 =	vld [tilespmem:s2+$0xA580];
	_ =	sdelay $0x1  }
0x1ac: {  	v3 =	vld [tilespmem:s2+$0xA980]  }
0x1ad: {  	v0 =	vadd.f32 v1, v0  }
0x1ae: {  	v1 =	vld [tilespmem:s2+$0xAD80]  }
0x1af: {  	v0 =	vadd.f32 v2, v0  }
0x1b0: {  	v2 =	vld [tilespmem:s2+$0xB180]  }
0x1b1: {  	v0 =	vadd.f32 v3, v0  }
0x1b2: {  	v3 =	vld [tilespmem:s2+$0xB580]  }
0x1b3: {  	v0 =	vadd.f32 v1, v0  }
0x1b4: {  	v1 =	vld [tilespmem:s2+$0xB980]  }
0x1b5: {  	s3 =	simm.s32 $0x10;
	v4 =	vld [tilespmem:s2+$0xBD80];
	v0 =	vadd.f32 v2, v0  }
0x1b6: {  	v5 =	vld [tilespmem:s3+$0x9D80]  }
0x1b7: {  	v2 =	vld [tilespmem:s2+$0xC180];
	v0 =	vadd.f32 v3, v0  }
0x1b8: {  	v3 =	vld [tilespmem:s3+$0xA180]  }
0x1b9: {  	v6 =	vld [tilespmem:s3+$0xA580];
	v0 =	vadd.f32 v1, v0  }
0x1ba: {  	v1 =	vld [tilespmem:s2+$0xC580]  }
0x1bb: {  	v7 =	vld [tilespmem:s3+$0xA980];
	v0 =	vadd.f32 v4, v0  }
0x1bc: {  	v4 =	vld [tilespmem:s2+$0xC980]  }
0x1bd: {  	v3 =	vadd.f32 v3, v5;
	v5 =	vld [tilespmem:s3+$0xAD80];
	v0 =	vadd.f32 v2, v0  }
0x1be: {  	v2 =	vld [tilespmem:s2+$0xCD80]  }
0x1bf: {  	v3 =	vadd.f32 v6, v3;
	v6 =	vld [tilespmem:s2+$0xD180];
	v0 =	vadd.f32 v1, v0  }
0x1c0: {  	v1 =	vld [tilespmem:s3+$0xB180]  }
0x1c1: {  	v8 =	vld [tilespmem:s3+$0xB580];
	v3 =	vadd.f32 v7, v3;
	v0 =	vadd.f32 v4, v0  }
0x1c2: {  	v7 =	vld [tilespmem:s2+$0xD580]  }
0x1c3: {  	v4 =	vadd.f32 v5, v3;
	v3 =	vld [tilespmem:s3+$0xB980];
	v2 =	vadd.f32 v2, v0  }
0x1c4: {  	s4 =	simm.s32 $0x20;
	v0 =	vld [tilespmem:s2+$0xD980]  }
0x1c5: {  	v5 =	vld [tilespmem:s4+$0x9D80];
	v63 =	vadd.f32 v1, v4;
	v2 =	vadd.f32 v6, v2  }
0x1c6: {  	v4 =	vld [tilespmem:s3+$0xBD80]  }
0x1c7: {  	s5 =	simm.s32 $0xC0;
	v1 =	vld [tilespmem:s3+$0xC180];
	v6 =	vadd.f32 v8, v63;
	v2 =	vadd.f32 v7, v2  }
.LBB2_18:
0x1c8: {  	p1 =	sne.s32 s5, $0x1C0;
	v7 =	vld [tilespmem:s4+$0xA180]  }
0x1c9: {  	v3 =	vadd.f32 v3, v6;
	v6 =	vld [tilespmem:s3+$0xC580];
	v0 =	vadd.f32 v0, v2  }
0x1ca: {  	v2 =	vld [tilespmem:s4+$0xA580]  }
0x1cb: {  	v3 =	vadd.f32 v4, v3;
	v4 =	vld [tilespmem:s3+$0xC980];
	[tilespmem:s2+$0xDD80] =	vst v0;
	s2 =	smov.u32 s3;
	s3 =	smov.u32 s4  }
0x1cc: {  	v0 =	vld [tilespmem:s3+$0xA980]  }
0x1cd: {  	v5 =	vadd.f32 v7, v5;
	v1 =	vadd.f32 v1, v3;
	v3 =	vld [tilespmem:s2+$0xCD80]  }
0x1ce: {  	v7 =	vld [tilespmem:s3+$0xAD80]  }
0x1cf: {  	v2 =	vadd.f32 v2, v5;
	v1 =	vadd.f32 v6, v1;
	v5 =	vld [tilespmem:s2+$0xD180]  }
0x1d0: {  	v6 =	vld [tilespmem:s3+$0xB180]  }
0x1d1: {  	v0 =	vadd.f32 v0, v2;
	v1 =	vadd.f32 v4, v1;
	v2 =	vld [tilespmem:s2+$0xD580]  }
0x1d2: {  	v8 =	vld [tilespmem:s3+$0xB580]  }
.Ltmp8:
0x1d3: {  	v4 =	vadd.f32 v7, v0;
	v7 =	vadd.f32 v3, v1;
	v0 =	vld [tilespmem:s2+$0xD980];
	(pc) =	sbr.rel @p1 .LBB2_18-.Ltmp8, $4  }
0x1d4: {  	v3 =	vld [tilespmem:s3+$0xB980]  }
0x1d5: {  	v6 =	vadd.f32 v6, v4;
	v1 =	vld [tilespmem:s3+$0xC180];
	v7 =	vadd.f32 v5, v7  }
0x1d6: {  	s4 =	sshra.s32 s5, $0x2;
	v4 =	vld [tilespmem:s3+$0xBD80]  }
0x1d7: {  	s5 =	sadd.s32 $0x40, s5;
	v5 =	vld [tilespmem:s4+$0x9D80];
	v6 =	vadd.f32 v8, v6;
	v2 =	vadd.f32 v2, v7  }
0x1d8: {  	v7 =	vld [tilespmem:s4+$0xA180];
	_ =	sdelay $0x1  }
0x1d9: {  	v8 =	vld [tilespmem:s4+$0xA580];
	_ =	sdelay $0x1  }
0x1da: {  	v9 =	vld [tilespmem:s4+$0xA980]  }
0x1db: {  	v5 =	vadd.f32 v7, v5  }
0x1dc: {  	v7 =	vld [tilespmem:s4+$0xAD80]  }
0x1dd: {  	v5 =	vadd.f32 v8, v5  }
0x1de: {  	v8 =	vld [tilespmem:s4+$0xB180]  }
0x1df: {  	v5 =	vadd.f32 v9, v5  }
0x1e0: {  	v62 =	vld [tilespmem:s4+$0xB580]  }
0x1e1: {  	v5 =	vadd.f32 v7, v5  }
0x1e2: {  	v7 =	vld [tilespmem:s4+$0xB980]  }
0x1e3: {  	v5 =	vadd.f32 v8, v5  }
0x1e4: {  	v8 =	vld [tilespmem:s4+$0xBD80]  }
0x1e5: {  	v5 =	vadd.f32 v62, v5  }
0x1e6: {  	v3 =	vadd.f32 v3, v6;
	v6 =	vld [tilespmem:s4+$0xC180]  }
0x1e7: {  	v5 =	vadd.f32 v7, v5;
	v7 =	vld [tilespmem:s3+$0xC580]  }
0x1e8: {  	v3 =	vadd.f32 v4, v3;
	v4 =	vld [tilespmem:s4+$0xC580]  }
0x1e9: {  	v5 =	vadd.f32 v8, v5;
	v8 =	vld [tilespmem:s3+$0xC980]  }
0x1ea: {  	v1 =	vadd.f32 v1, v3;
	v3 =	vld [tilespmem:s4+$0xC980]  }
0x1eb: {  	v5 =	vadd.f32 v6, v5;
	v6 =	vld [tilespmem:s3+$0xCD80]  }
0x1ec: {  	v1 =	vadd.f32 v7, v1;
	v7 =	vld [tilespmem:s4+$0xCD80]  }
0x1ed: {  	v4 =	vadd.f32 v4, v5;
	v5 =	vld [tilespmem:s3+$0xD180]  }
0x1ee: {  	v1 =	vadd.f32 v8, v1;
	v8 =	vld [tilespmem:s4+$0xD180]  }
0x1ef: {  	v3 =	vadd.f32 v3, v4;
	v4 =	vld [tilespmem:s3+$0xD580]  }
0x1f0: {  	v1 =	vadd.f32 v6, v1;
	v6 =	vld [tilespmem:s4+$0xD580]  }
0x1f1: {  	v3 =	vadd.f32 v7, v3;
	v7 =	vld [tilespmem:s3+$0xD980]  }
0x1f2: {  	v1 =	vadd.f32 v5, v1;
	v5 =	vld [tilespmem:s4+$0xD980]  }
0x1f3: {  	v3 =	vadd.f32 v8, v3  }
0x1f4: {  	v1 =	vadd.f32 v4, v1  }
0x1f5: {  	v0 =	vadd.f32 v0, v2;
	v2 =	vadd.f32 v6, v3  }
0x1f6: {  	v1 =	vadd.f32 v7, v1  }
0x1f7: {  	[tilespmem:s2+$0xDD80] =	vst v0;
	v0 =	vadd.f32 v5, v2  }
0x1f8: {  	[tilespmem:s3+$0xDD80] =	vst v1  }
0x1f9: {  	s2 =	simm.s32 $0x0;
	[tilespmem:s4+$0xDD80] =	vst v0  }
0x1fa: {  	v0 =	vld [tilespmem:s2+$0x9E00]  }
0x1fb: {  	v1 =	vld [tilespmem:s2+$0xA200];
	_ =	sdelay $0x1  }
0x1fc: {  	v2 =	vld [tilespmem:s2+$0xA600];
	_ =	sdelay $0x1  }
0x1fd: {  	v3 =	vld [tilespmem:s2+$0xAA00]  }
0x1fe: {  	v0 =	vadd.f32 v1, v0  }
0x1ff: {  	v1 =	vld [tilespmem:s2+$0xAE00]  }
0x200: {  	v0 =	vadd.f32 v2, v0  }
0x201: {  	v2 =	vld [tilespmem:s2+$0xB200]  }
0x202: {  	v0 =	vadd.f32 v3, v0  }
0x203: {  	v3 =	vld [tilespmem:s2+$0xB600]  }
0x204: {  	v0 =	vadd.f32 v1, v0  }
0x205: {  	v1 =	vld [tilespmem:s2+$0xBA00]  }
0x206: {  	s3 =	simm.s32 $0x10;
	v4 =	vld [tilespmem:s2+$0xBE00];
	v0 =	vadd.f32 v2, v0  }
0x207: {  	v5 =	vld [tilespmem:s3+$0x9E00]  }
0x208: {  	v2 =	vld [tilespmem:s2+$0xC200];
	v0 =	vadd.f32 v3, v0  }
0x209: {  	v3 =	vld [tilespmem:s3+$0xA200]  }
0x20a: {  	v6 =	vld [tilespmem:s3+$0xA600];
	v0 =	vadd.f32 v1, v0  }
0x20b: {  	v1 =	vld [tilespmem:s2+$0xC600]  }
0x20c: {  	v7 =	vld [tilespmem:s3+$0xAA00];
	v0 =	vadd.f32 v4, v0  }
0x20d: {  	v4 =	vld [tilespmem:s2+$0xCA00]  }
0x20e: {  	v3 =	vadd.f32 v3, v5;
	v5 =	vld [tilespmem:s3+$0xAE00];
	v0 =	vadd.f32 v2, v0  }
0x20f: {  	v2 =	vld [tilespmem:s2+$0xCE00]  }
0x210: {  	v3 =	vadd.f32 v6, v3;
	v6 =	vld [tilespmem:s2+$0xD200];
	v0 =	vadd.f32 v1, v0  }
0x211: {  	v1 =	vld [tilespmem:s3+$0xB200]  }
0x212: {  	v8 =	vld [tilespmem:s3+$0xB600];
	v3 =	vadd.f32 v7, v3;
	v0 =	vadd.f32 v4, v0  }
0x213: {  	v7 =	vld [tilespmem:s2+$0xD600]  }
0x214: {  	v4 =	vadd.f32 v5, v3;
	v3 =	vld [tilespmem:s3+$0xBA00];
	v2 =	vadd.f32 v2, v0  }
0x215: {  	s4 =	simm.s32 $0x20;
	v0 =	vld [tilespmem:s2+$0xDA00]  }
0x216: {  	v5 =	vld [tilespmem:s4+$0x9E00];
	v63 =	vadd.f32 v1, v4;
	v2 =	vadd.f32 v6, v2  }
0x217: {  	v4 =	vld [tilespmem:s3+$0xBE00]  }
0x218: {  	s5 =	simm.s32 $0xC0;
	v1 =	vld [tilespmem:s3+$0xC200];
	v6 =	vadd.f32 v8, v63;
	v2 =	vadd.f32 v7, v2  }
.LBB2_20:
0x219: {  	p1 =	sne.s32 s5, $0x1C0;
	v7 =	vld [tilespmem:s4+$0xA200]  }
0x21a: {  	v3 =	vadd.f32 v3, v6;
	v6 =	vld [tilespmem:s3+$0xC600];
	v0 =	vadd.f32 v0, v2  }
0x21b: {  	v2 =	vld [tilespmem:s4+$0xA600]  }
0x21c: {  	v3 =	vadd.f32 v4, v3;
	v4 =	vld [tilespmem:s3+$0xCA00];
	[tilespmem:s2+$0xDE00] =	vst v0;
	s2 =	smov.u32 s3;
	s3 =	smov.u32 s4  }
0x21d: {  	v0 =	vld [tilespmem:s3+$0xAA00]  }
0x21e: {  	v5 =	vadd.f32 v7, v5;
	v1 =	vadd.f32 v1, v3;
	v3 =	vld [tilespmem:s2+$0xCE00]  }
0x21f: {  	v7 =	vld [tilespmem:s3+$0xAE00]  }
0x220: {  	v2 =	vadd.f32 v2, v5;
	v1 =	vadd.f32 v6, v1;
	v5 =	vld [tilespmem:s2+$0xD200]  }
0x221: {  	v6 =	vld [tilespmem:s3+$0xB200]  }
0x222: {  	v0 =	vadd.f32 v0, v2;
	v1 =	vadd.f32 v4, v1;
	v2 =	vld [tilespmem:s2+$0xD600]  }
0x223: {  	v8 =	vld [tilespmem:s3+$0xB600]  }
.Ltmp9:
0x224: {  	v4 =	vadd.f32 v7, v0;
	v7 =	vadd.f32 v3, v1;
	v0 =	vld [tilespmem:s2+$0xDA00];
	(pc) =	sbr.rel @p1 .LBB2_20-.Ltmp9, $4  }
0x225: {  	v3 =	vld [tilespmem:s3+$0xBA00]  }
0x226: {  	v6 =	vadd.f32 v6, v4;
	v1 =	vld [tilespmem:s3+$0xC200];
	v7 =	vadd.f32 v5, v7  }
0x227: {  	s4 =	sshra.s32 s5, $0x2;
	v4 =	vld [tilespmem:s3+$0xBE00]  }
0x228: {  	s5 =	sadd.s32 $0x40, s5;
	v5 =	vld [tilespmem:s4+$0x9E00];
	v6 =	vadd.f32 v8, v6;
	v2 =	vadd.f32 v2, v7  }
0x229: {  	v7 =	vld [tilespmem:s4+$0xA200];
	_ =	sdelay $0x1  }
0x22a: {  	v8 =	vld [tilespmem:s4+$0xA600];
	_ =	sdelay $0x1  }
0x22b: {  	v9 =	vld [tilespmem:s4+$0xAA00]  }
0x22c: {  	v5 =	vadd.f32 v7, v5  }
0x22d: {  	v7 =	vld [tilespmem:s4+$0xAE00]  }
0x22e: {  	v5 =	vadd.f32 v8, v5  }
0x22f: {  	v8 =	vld [tilespmem:s4+$0xB200]  }
0x230: {  	v5 =	vadd.f32 v9, v5  }
0x231: {  	v62 =	vld [tilespmem:s4+$0xB600]  }
0x232: {  	v5 =	vadd.f32 v7, v5  }
0x233: {  	v7 =	vld [tilespmem:s4+$0xBA00]  }
0x234: {  	v5 =	vadd.f32 v8, v5  }
0x235: {  	v8 =	vld [tilespmem:s4+$0xBE00]  }
0x236: {  	v5 =	vadd.f32 v62, v5  }
0x237: {  	v3 =	vadd.f32 v3, v6;
	v6 =	vld [tilespmem:s4+$0xC200]  }
0x238: {  	v5 =	vadd.f32 v7, v5;
	v7 =	vld [tilespmem:s3+$0xC600]  }
0x239: {  	v3 =	vadd.f32 v4, v3;
	v4 =	vld [tilespmem:s4+$0xC600]  }
0x23a: {  	v5 =	vadd.f32 v8, v5;
	v8 =	vld [tilespmem:s3+$0xCA00]  }
0x23b: {  	v1 =	vadd.f32 v1, v3;
	v3 =	vld [tilespmem:s4+$0xCA00]  }
0x23c: {  	v5 =	vadd.f32 v6, v5;
	v6 =	vld [tilespmem:s3+$0xCE00]  }
0x23d: {  	v1 =	vadd.f32 v7, v1;
	v7 =	vld [tilespmem:s4+$0xCE00]  }
0x23e: {  	v4 =	vadd.f32 v4, v5;
	v5 =	vld [tilespmem:s3+$0xD200]  }
0x23f: {  	v1 =	vadd.f32 v8, v1;
	v8 =	vld [tilespmem:s4+$0xD200]  }
0x240: {  	v3 =	vadd.f32 v3, v4;
	v4 =	vld [tilespmem:s3+$0xD600]  }
0x241: {  	v1 =	vadd.f32 v6, v1;
	v6 =	vld [tilespmem:s4+$0xD600]  }
0x242: {  	v3 =	vadd.f32 v7, v3;
	v7 =	vld [tilespmem:s3+$0xDA00]  }
0x243: {  	v1 =	vadd.f32 v5, v1;
	v5 =	vld [tilespmem:s4+$0xDA00]  }
0x244: {  	v3 =	vadd.f32 v8, v3  }
0x245: {  	v1 =	vadd.f32 v4, v1  }
0x246: {  	v0 =	vadd.f32 v0, v2;
	v2 =	vadd.f32 v6, v3  }
0x247: {  	v1 =	vadd.f32 v7, v1  }
0x248: {  	[tilespmem:s2+$0xDE00] =	vst v0;
	v0 =	vadd.f32 v5, v2  }
0x249: {  	[tilespmem:s3+$0xDE00] =	vst v1  }
0x24a: {  	s2 =	simm.s32 $0x0;
	[tilespmem:s4+$0xDE00] =	vst v0  }
0x24b: {  	v0 =	vld [tilespmem:s2+$0x9E80]  }
0x24c: {  	v1 =	vld [tilespmem:s2+$0xA280];
	_ =	sdelay $0x1  }
0x24d: {  	v2 =	vld [tilespmem:s2+$0xA680];
	_ =	sdelay $0x1  }
0x24e: {  	v3 =	vld [tilespmem:s2+$0xAA80]  }
0x24f: {  	v0 =	vadd.f32 v1, v0  }
0x250: {  	v1 =	vld [tilespmem:s2+$0xAE80]  }
0x251: {  	v0 =	vadd.f32 v2, v0  }
0x252: {  	v2 =	vld [tilespmem:s2+$0xB280]  }
0x253: {  	v0 =	vadd.f32 v3, v0  }
0x254: {  	v3 =	vld [tilespmem:s2+$0xB680]  }
0x255: {  	v0 =	vadd.f32 v1, v0  }
0x256: {  	v1 =	vld [tilespmem:s2+$0xBA80]  }
0x257: {  	s3 =	simm.s32 $0x10;
	v4 =	vld [tilespmem:s2+$0xBE80];
	v0 =	vadd.f32 v2, v0  }
0x258: {  	v5 =	vld [tilespmem:s3+$0x9E80]  }
0x259: {  	v2 =	vld [tilespmem:s2+$0xC280];
	v0 =	vadd.f32 v3, v0  }
0x25a: {  	v3 =	vld [tilespmem:s3+$0xA280]  }
0x25b: {  	v6 =	vld [tilespmem:s3+$0xA680];
	v0 =	vadd.f32 v1, v0  }
0x25c: {  	v1 =	vld [tilespmem:s2+$0xC680]  }
0x25d: {  	v7 =	vld [tilespmem:s3+$0xAA80];
	v0 =	vadd.f32 v4, v0  }
0x25e: {  	v4 =	vld [tilespmem:s2+$0xCA80]  }
0x25f: {  	v3 =	vadd.f32 v3, v5;
	v5 =	vld [tilespmem:s3+$0xAE80];
	v0 =	vadd.f32 v2, v0  }
0x260: {  	v2 =	vld [tilespmem:s2+$0xCE80]  }
0x261: {  	v3 =	vadd.f32 v6, v3;
	v6 =	vld [tilespmem:s2+$0xD280];
	v0 =	vadd.f32 v1, v0  }
0x262: {  	v1 =	vld [tilespmem:s3+$0xB280]  }
0x263: {  	v8 =	vld [tilespmem:s3+$0xB680];
	v3 =	vadd.f32 v7, v3;
	v0 =	vadd.f32 v4, v0  }
0x264: {  	v7 =	vld [tilespmem:s2+$0xD680]  }
0x265: {  	v4 =	vadd.f32 v5, v3;
	v3 =	vld [tilespmem:s3+$0xBA80];
	v2 =	vadd.f32 v2, v0  }
0x266: {  	s4 =	simm.s32 $0x20;
	v0 =	vld [tilespmem:s2+$0xDA80]  }
0x267: {  	v5 =	vld [tilespmem:s4+$0x9E80];
	v63 =	vadd.f32 v1, v4;
	v2 =	vadd.f32 v6, v2  }
0x268: {  	v4 =	vld [tilespmem:s3+$0xBE80]  }
0x269: {  	s5 =	simm.s32 $0xC0;
	v1 =	vld [tilespmem:s3+$0xC280];
	v6 =	vadd.f32 v8, v63;
	v2 =	vadd.f32 v7, v2  }
.LBB2_22:
0x26a: {  	p1 =	sne.s32 s5, $0x1C0;
	v7 =	vld [tilespmem:s4+$0xA280]  }
0x26b: {  	v3 =	vadd.f32 v3, v6;
	v6 =	vld [tilespmem:s3+$0xC680];
	v0 =	vadd.f32 v0, v2  }
0x26c: {  	v2 =	vld [tilespmem:s4+$0xA680]  }
0x26d: {  	v3 =	vadd.f32 v4, v3;
	v4 =	vld [tilespmem:s3+$0xCA80];
	[tilespmem:s2+$0xDE80] =	vst v0;
	s2 =	smov.u32 s3;
	s3 =	smov.u32 s4  }
0x26e: {  	v0 =	vld [tilespmem:s3+$0xAA80]  }
0x26f: {  	v5 =	vadd.f32 v7, v5;
	v1 =	vadd.f32 v1, v3;
	v3 =	vld [tilespmem:s2+$0xCE80]  }
0x270: {  	v7 =	vld [tilespmem:s3+$0xAE80]  }
0x271: {  	v2 =	vadd.f32 v2, v5;
	v1 =	vadd.f32 v6, v1;
	v5 =	vld [tilespmem:s2+$0xD280]  }
0x272: {  	v6 =	vld [tilespmem:s3+$0xB280]  }
0x273: {  	v0 =	vadd.f32 v0, v2;
	v1 =	vadd.f32 v4, v1;
	v2 =	vld [tilespmem:s2+$0xD680]  }
0x274: {  	v8 =	vld [tilespmem:s3+$0xB680]  }
.Ltmp10:
0x275: {  	v4 =	vadd.f32 v7, v0;
	v7 =	vadd.f32 v3, v1;
	v0 =	vld [tilespmem:s2+$0xDA80];
	(pc) =	sbr.rel @p1 .LBB2_22-.Ltmp10, $4  }
0x276: {  	v3 =	vld [tilespmem:s3+$0xBA80]  }
0x277: {  	v6 =	vadd.f32 v6, v4;
	v1 =	vld [tilespmem:s3+$0xC280];
	v7 =	vadd.f32 v5, v7  }
0x278: {  	s4 =	sshra.s32 s5, $0x2;
	v4 =	vld [tilespmem:s3+$0xBE80]  }
0x279: {  	s5 =	sadd.s32 $0x40, s5;
	v5 =	vld [tilespmem:s4+$0x9E80];
	v6 =	vadd.f32 v8, v6;
	v2 =	vadd.f32 v2, v7  }
0x27a: {  	v7 =	vld [tilespmem:s4+$0xA280];
	_ =	sdelay $0x1  }
0x27b: {  	v8 =	vld [tilespmem:s4+$0xA680];
	_ =	sdelay $0x1  }
0x27c: {  	v9 =	vld [tilespmem:s4+$0xAA80]  }
0x27d: {  	v5 =	vadd.f32 v7, v5  }
0x27e: {  	v7 =	vld [tilespmem:s4+$0xAE80]  }
0x27f: {  	v5 =	vadd.f32 v8, v5  }
0x280: {  	v8 =	vld [tilespmem:s4+$0xB280]  }
0x281: {  	v5 =	vadd.f32 v9, v5  }
0x282: {  	v62 =	vld [tilespmem:s4+$0xB680]  }
0x283: {  	v5 =	vadd.f32 v7, v5  }
0x284: {  	v7 =	vld [tilespmem:s4+$0xBA80]  }
0x285: {  	v5 =	vadd.f32 v8, v5  }
0x286: {  	v8 =	vld [tilespmem:s4+$0xBE80]  }
0x287: {  	v5 =	vadd.f32 v62, v5  }
0x288: {  	v3 =	vadd.f32 v3, v6;
	v6 =	vld [tilespmem:s4+$0xC280]  }
0x289: {  	v5 =	vadd.f32 v7, v5;
	v7 =	vld [tilespmem:s3+$0xC680]  }
0x28a: {  	v3 =	vadd.f32 v4, v3;
	v4 =	vld [tilespmem:s4+$0xC680]  }
0x28b: {  	v5 =	vadd.f32 v8, v5;
	v8 =	vld [tilespmem:s3+$0xCA80]  }
0x28c: {  	v1 =	vadd.f32 v1, v3;
	v3 =	vld [tilespmem:s4+$0xCA80]  }
0x28d: {  	v5 =	vadd.f32 v6, v5;
	v6 =	vld [tilespmem:s3+$0xCE80]  }
0x28e: {  	v1 =	vadd.f32 v7, v1;
	v7 =	vld [tilespmem:s4+$0xCE80]  }
0x28f: {  	v4 =	vadd.f32 v4, v5;
	v5 =	vld [tilespmem:s3+$0xD280]  }
0x290: {  	v1 =	vadd.f32 v8, v1;
	v8 =	vld [tilespmem:s4+$0xD280]  }
0x291: {  	v3 =	vadd.f32 v3, v4;
	v4 =	vld [tilespmem:s3+$0xD680]  }
0x292: {  	v1 =	vadd.f32 v6, v1;
	v6 =	vld [tilespmem:s4+$0xD680]  }
0x293: {  	v3 =	vadd.f32 v7, v3;
	v7 =	vld [tilespmem:s3+$0xDA80]  }
0x294: {  	v1 =	vadd.f32 v5, v1;
	v5 =	vld [tilespmem:s4+$0xDA80]  }
0x295: {  	v3 =	vadd.f32 v8, v3  }
0x296: {  	v1 =	vadd.f32 v4, v1  }
0x297: {  	v0 =	vadd.f32 v0, v2;
	v2 =	vadd.f32 v6, v3  }
0x298: {  	v1 =	vadd.f32 v7, v1  }
0x299: {  	[tilespmem:s2+$0xDE80] =	vst v0;
	v0 =	vadd.f32 v5, v2  }
0x29a: {  	[tilespmem:s3+$0xDE80] =	vst v1  }
0x29b: {  	s2 =	simm.s32 $0x0;
	[tilespmem:s4+$0xDE80] =	vst v0  }
0x29c: {  	v0 =	vld [tilespmem:s2+$0x9F00]  }
0x29d: {  	v1 =	vld [tilespmem:s2+$0xA300];
	_ =	sdelay $0x1  }
0x29e: {  	v2 =	vld [tilespmem:s2+$0xA700];
	_ =	sdelay $0x1  }
0x29f: {  	v3 =	vld [tilespmem:s2+$0xAB00]  }
0x2a0: {  	v0 =	vadd.f32 v1, v0  }
0x2a1: {  	v1 =	vld [tilespmem:s2+$0xAF00]  }
0x2a2: {  	v0 =	vadd.f32 v2, v0  }
0x2a3: {  	v2 =	vld [tilespmem:s2+$0xB300]  }
0x2a4: {  	v0 =	vadd.f32 v3, v0  }
0x2a5: {  	v3 =	vld [tilespmem:s2+$0xB700]  }
0x2a6: {  	v0 =	vadd.f32 v1, v0  }
0x2a7: {  	v1 =	vld [tilespmem:s2+$0xBB00]  }
0x2a8: {  	s3 =	simm.s32 $0x10;
	v4 =	vld [tilespmem:s2+$0xBF00];
	v0 =	vadd.f32 v2, v0  }
0x2a9: {  	v5 =	vld [tilespmem:s3+$0x9F00]  }
0x2aa: {  	v2 =	vld [tilespmem:s2+$0xC300];
	v0 =	vadd.f32 v3, v0  }
0x2ab: {  	v3 =	vld [tilespmem:s3+$0xA300]  }
0x2ac: {  	v6 =	vld [tilespmem:s3+$0xA700];
	v0 =	vadd.f32 v1, v0  }
0x2ad: {  	v1 =	vld [tilespmem:s2+$0xC700]  }
0x2ae: {  	v7 =	vld [tilespmem:s3+$0xAB00];
	v0 =	vadd.f32 v4, v0  }
0x2af: {  	v4 =	vld [tilespmem:s2+$0xCB00]  }
0x2b0: {  	v3 =	vadd.f32 v3, v5;
	v5 =	vld [tilespmem:s3+$0xAF00];
	v0 =	vadd.f32 v2, v0  }
0x2b1: {  	v2 =	vld [tilespmem:s2+$0xCF00]  }
0x2b2: {  	v3 =	vadd.f32 v6, v3;
	v6 =	vld [tilespmem:s2+$0xD300];
	v0 =	vadd.f32 v1, v0  }
0x2b3: {  	v1 =	vld [tilespmem:s3+$0xB300]  }
0x2b4: {  	v8 =	vld [tilespmem:s3+$0xB700];
	v3 =	vadd.f32 v7, v3;
	v0 =	vadd.f32 v4, v0  }
0x2b5: {  	v7 =	vld [tilespmem:s2+$0xD700]  }
0x2b6: {  	v4 =	vadd.f32 v5, v3;
	v3 =	vld [tilespmem:s3+$0xBB00];
	v2 =	vadd.f32 v2, v0  }
0x2b7: {  	s4 =	simm.s32 $0x20;
	v0 =	vld [tilespmem:s2+$0xDB00]  }
0x2b8: {  	v5 =	vld [tilespmem:s4+$0x9F00];
	v63 =	vadd.f32 v1, v4;
	v2 =	vadd.f32 v6, v2  }
0x2b9: {  	v4 =	vld [tilespmem:s3+$0xBF00]  }
0x2ba: {  	s5 =	simm.s32 $0xC0;
	v1 =	vld [tilespmem:s3+$0xC300];
	v6 =	vadd.f32 v8, v63;
	v2 =	vadd.f32 v7, v2  }
.LBB2_24:
0x2bb: {  	p1 =	sne.s32 s5, $0x1C0;
	v7 =	vld [tilespmem:s4+$0xA300]  }
0x2bc: {  	v3 =	vadd.f32 v3, v6;
	v6 =	vld [tilespmem:s3+$0xC700];
	v0 =	vadd.f32 v0, v2  }
0x2bd: {  	v2 =	vld [tilespmem:s4+$0xA700]  }
0x2be: {  	v3 =	vadd.f32 v4, v3;
	v4 =	vld [tilespmem:s3+$0xCB00];
	[tilespmem:s2+$0xDF00] =	vst v0;
	s2 =	smov.u32 s3;
	s3 =	smov.u32 s4  }
0x2bf: {  	v0 =	vld [tilespmem:s3+$0xAB00]  }
0x2c0: {  	v5 =	vadd.f32 v7, v5;
	v1 =	vadd.f32 v1, v3;
	v3 =	vld [tilespmem:s2+$0xCF00]  }
0x2c1: {  	v7 =	vld [tilespmem:s3+$0xAF00]  }
0x2c2: {  	v2 =	vadd.f32 v2, v5;
	v1 =	vadd.f32 v6, v1;
	v5 =	vld [tilespmem:s2+$0xD300]  }
0x2c3: {  	v6 =	vld [tilespmem:s3+$0xB300]  }
0x2c4: {  	v0 =	vadd.f32 v0, v2;
	v1 =	vadd.f32 v4, v1;
	v2 =	vld [tilespmem:s2+$0xD700]  }
0x2c5: {  	v8 =	vld [tilespmem:s3+$0xB700]  }
.Ltmp11:
0x2c6: {  	v4 =	vadd.f32 v7, v0;
	v7 =	vadd.f32 v3, v1;
	v0 =	vld [tilespmem:s2+$0xDB00];
	(pc) =	sbr.rel @p1 .LBB2_24-.Ltmp11, $4  }
0x2c7: {  	v3 =	vld [tilespmem:s3+$0xBB00]  }
0x2c8: {  	v6 =	vadd.f32 v6, v4;
	v1 =	vld [tilespmem:s3+$0xC300];
	v7 =	vadd.f32 v5, v7  }
0x2c9: {  	s4 =	sshra.s32 s5, $0x2;
	v4 =	vld [tilespmem:s3+$0xBF00]  }
0x2ca: {  	s5 =	sadd.s32 $0x40, s5;
	v5 =	vld [tilespmem:s4+$0x9F00];
	v6 =	vadd.f32 v8, v6;
	v2 =	vadd.f32 v2, v7  }
0x2cb: {  	v7 =	vld [tilespmem:s4+$0xA300];
	_ =	sdelay $0x1  }
0x2cc: {  	v8 =	vld [tilespmem:s4+$0xA700];
	_ =	sdelay $0x1  }
0x2cd: {  	v9 =	vld [tilespmem:s4+$0xAB00]  }
0x2ce: {  	v5 =	vadd.f32 v7, v5  }
0x2cf: {  	v7 =	vld [tilespmem:s4+$0xAF00]  }
0x2d0: {  	v5 =	vadd.f32 v8, v5  }
0x2d1: {  	v8 =	vld [tilespmem:s4+$0xB300]  }
0x2d2: {  	v5 =	vadd.f32 v9, v5  }
0x2d3: {  	v62 =	vld [tilespmem:s4+$0xB700]  }
0x2d4: {  	v5 =	vadd.f32 v7, v5  }
0x2d5: {  	v7 =	vld [tilespmem:s4+$0xBB00]  }
0x2d6: {  	v5 =	vadd.f32 v8, v5  }
0x2d7: {  	v8 =	vld [tilespmem:s4+$0xBF00]  }
0x2d8: {  	v5 =	vadd.f32 v62, v5  }
0x2d9: {  	v3 =	vadd.f32 v3, v6;
	v6 =	vld [tilespmem:s4+$0xC300]  }
0x2da: {  	v5 =	vadd.f32 v7, v5;
	v7 =	vld [tilespmem:s3+$0xC700]  }
0x2db: {  	v3 =	vadd.f32 v4, v3;
	v4 =	vld [tilespmem:s4+$0xC700]  }
0x2dc: {  	v5 =	vadd.f32 v8, v5;
	v8 =	vld [tilespmem:s3+$0xCB00]  }
0x2dd: {  	v1 =	vadd.f32 v1, v3;
	v3 =	vld [tilespmem:s4+$0xCB00]  }
0x2de: {  	v5 =	vadd.f32 v6, v5;
	v6 =	vld [tilespmem:s3+$0xCF00]  }
0x2df: {  	v1 =	vadd.f32 v7, v1;
	v7 =	vld [tilespmem:s4+$0xCF00]  }
0x2e0: {  	v4 =	vadd.f32 v4, v5;
	v5 =	vld [tilespmem:s3+$0xD300]  }
0x2e1: {  	v1 =	vadd.f32 v8, v1;
	v8 =	vld [tilespmem:s4+$0xD300]  }
0x2e2: {  	v3 =	vadd.f32 v3, v4;
	v4 =	vld [tilespmem:s3+$0xD700]  }
0x2e3: {  	v1 =	vadd.f32 v6, v1;
	v6 =	vld [tilespmem:s4+$0xD700]  }
0x2e4: {  	v3 =	vadd.f32 v7, v3;
	v7 =	vld [tilespmem:s3+$0xDB00]  }
0x2e5: {  	v1 =	vadd.f32 v5, v1;
	v5 =	vld [tilespmem:s4+$0xDB00]  }
0x2e6: {  	v3 =	vadd.f32 v8, v3  }
0x2e7: {  	v1 =	vadd.f32 v4, v1  }
0x2e8: {  	v0 =	vadd.f32 v0, v2;
	v2 =	vadd.f32 v6, v3  }
0x2e9: {  	v1 =	vadd.f32 v7, v1  }
0x2ea: {  	[tilespmem:s2+$0xDF00] =	vst v0;
	v0 =	vadd.f32 v5, v2  }
0x2eb: {  	[tilespmem:s3+$0xDF00] =	vst v1  }
0x2ec: {  	s2 =	simm.s32 $0x0;
	[tilespmem:s4+$0xDF00] =	vst v0  }
0x2ed: {  	v0 =	vld [tilespmem:s2+$0x9F80]  }
0x2ee: {  	v1 =	vld [tilespmem:s2+$0xA380];
	_ =	sdelay $0x1  }
0x2ef: {  	v2 =	vld [tilespmem:s2+$0xA780];
	_ =	sdelay $0x1  }
0x2f0: {  	v3 =	vld [tilespmem:s2+$0xAB80]  }
0x2f1: {  	v0 =	vadd.f32 v1, v0  }
0x2f2: {  	v1 =	vld [tilespmem:s2+$0xAF80]  }
0x2f3: {  	v0 =	vadd.f32 v2, v0  }
0x2f4: {  	v2 =	vld [tilespmem:s2+$0xB380]  }
0x2f5: {  	v0 =	vadd.f32 v3, v0  }
0x2f6: {  	v3 =	vld [tilespmem:s2+$0xB780]  }
0x2f7: {  	v0 =	vadd.f32 v1, v0  }
0x2f8: {  	v1 =	vld [tilespmem:s2+$0xBB80]  }
0x2f9: {  	s3 =	simm.s32 $0x10;
	v4 =	vld [tilespmem:s2+$0xBF80];
	v0 =	vadd.f32 v2, v0  }
0x2fa: {  	v5 =	vld [tilespmem:s3+$0x9F80]  }
0x2fb: {  	v2 =	vld [tilespmem:s2+$0xC380];
	v0 =	vadd.f32 v3, v0  }
0x2fc: {  	v3 =	vld [tilespmem:s3+$0xA380]  }
0x2fd: {  	v6 =	vld [tilespmem:s3+$0xA780];
	v0 =	vadd.f32 v1, v0  }
0x2fe: {  	v1 =	vld [tilespmem:s2+$0xC780]  }
0x2ff: {  	v7 =	vld [tilespmem:s3+$0xAB80];
	v0 =	vadd.f32 v4, v0  }
0x300: {  	v4 =	vld [tilespmem:s2+$0xCB80]  }
0x301: {  	v3 =	vadd.f32 v3, v5;
	v5 =	vld [tilespmem:s3+$0xAF80];
	v0 =	vadd.f32 v2, v0  }
0x302: {  	v2 =	vld [tilespmem:s2+$0xCF80]  }
0x303: {  	v3 =	vadd.f32 v6, v3;
	v6 =	vld [tilespmem:s2+$0xD380];
	v0 =	vadd.f32 v1, v0  }
0x304: {  	v1 =	vld [tilespmem:s3+$0xB380]  }
0x305: {  	v8 =	vld [tilespmem:s3+$0xB780];
	v3 =	vadd.f32 v7, v3;
	v0 =	vadd.f32 v4, v0  }
0x306: {  	v7 =	vld [tilespmem:s2+$0xD780]  }
0x307: {  	v4 =	vadd.f32 v5, v3;
	v3 =	vld [tilespmem:s3+$0xBB80];
	v2 =	vadd.f32 v2, v0  }
0x308: {  	s4 =	simm.s32 $0x20;
	v0 =	vld [tilespmem:s2+$0xDB80]  }
0x309: {  	v5 =	vld [tilespmem:s4+$0x9F80];
	v63 =	vadd.f32 v1, v4;
	v2 =	vadd.f32 v6, v2  }
0x30a: {  	v4 =	vld [tilespmem:s3+$0xBF80]  }
0x30b: {  	s5 =	simm.s32 $0xC0;
	v1 =	vld [tilespmem:s3+$0xC380];
	v6 =	vadd.f32 v8, v63;
	v2 =	vadd.f32 v7, v2  }
.LBB2_26:
0x30c: {  	p1 =	sne.s32 s5, $0x1C0;
	v7 =	vld [tilespmem:s4+$0xA380]  }
0x30d: {  	v3 =	vadd.f32 v3, v6;
	v6 =	vld [tilespmem:s3+$0xC780];
	v0 =	vadd.f32 v0, v2  }
0x30e: {  	v2 =	vld [tilespmem:s4+$0xA780]  }
0x30f: {  	v3 =	vadd.f32 v4, v3;
	v4 =	vld [tilespmem:s3+$0xCB80];
	[tilespmem:s2+$0xDF80] =	vst v0;
	s2 =	smov.u32 s3;
	s3 =	smov.u32 s4  }
0x310: {  	v0 =	vld [tilespmem:s3+$0xAB80]  }
0x311: {  	v5 =	vadd.f32 v7, v5;
	v1 =	vadd.f32 v1, v3;
	v3 =	vld [tilespmem:s2+$0xCF80]  }
0x312: {  	v7 =	vld [tilespmem:s3+$0xAF80]  }
0x313: {  	v2 =	vadd.f32 v2, v5;
	v1 =	vadd.f32 v6, v1;
	v5 =	vld [tilespmem:s2+$0xD380]  }
0x314: {  	v6 =	vld [tilespmem:s3+$0xB380]  }
0x315: {  	v0 =	vadd.f32 v0, v2;
	v1 =	vadd.f32 v4, v1;
	v2 =	vld [tilespmem:s2+$0xD780]  }
0x316: {  	v8 =	vld [tilespmem:s3+$0xB780]  }
.Ltmp12:
0x317: {  	v4 =	vadd.f32 v7, v0;
	v7 =	vadd.f32 v3, v1;
	v0 =	vld [tilespmem:s2+$0xDB80];
	(pc) =	sbr.rel @p1 .LBB2_26-.Ltmp12, $4  }
0x318: {  	v3 =	vld [tilespmem:s3+$0xBB80]  }
0x319: {  	v6 =	vadd.f32 v6, v4;
	v1 =	vld [tilespmem:s3+$0xC380];
	v7 =	vadd.f32 v5, v7  }
0x31a: {  	s4 =	sshra.s32 s5, $0x2;
	v4 =	vld [tilespmem:s3+$0xBF80]  }
0x31b: {  	s5 =	sadd.s32 $0x40, s5;
	v5 =	vld [tilespmem:s4+$0x9F80];
	v6 =	vadd.f32 v8, v6;
	v2 =	vadd.f32 v2, v7  }
0x31c: {  	v7 =	vld [tilespmem:s4+$0xA380];
	_ =	sdelay $0x1  }
0x31d: {  	v8 =	vld [tilespmem:s4+$0xA780];
	_ =	sdelay $0x1  }
0x31e: {  	v9 =	vld [tilespmem:s4+$0xAB80]  }
0x31f: {  	v5 =	vadd.f32 v7, v5  }
0x320: {  	v44 =	vld [tilespmem:s4+$0xAF80]  }
0x321: {  	v5 =	vadd.f32 v8, v5  }
0x322: {  	v45 =	vld [tilespmem:s4+$0xB380]  }
0x323: {  	v5 =	vadd.f32 v9, v5  }
0x324: {  	v46 =	vld [tilespmem:s4+$0xB780]  }
0x325: {  	v5 =	vadd.f32 v44, v5  }
0x326: {  	v47 =	vld [tilespmem:s4+$0xBB80]  }
0x327: {  	v5 =	vadd.f32 v45, v5  }
0x328: {  	v48 =	vld [tilespmem:s4+$0xBF80]  }
0x329: {  	v5 =	vadd.f32 v46, v5  }
0x32a: {  	v49 =	vld [tilespmem:s4+$0xC380];
	v3 =	vadd.f32 v3, v6  }
0x32b: {  	v50 =	vld [tilespmem:s3+$0xC780];
	v5 =	vadd.f32 v47, v5  }
0x32c: {  	v51 =	vld [tilespmem:s4+$0xC780];
	v3 =	vadd.f32 v4, v3  }
0x32d: {  	v52 =	vld [tilespmem:s3+$0xCB80];
	v5 =	vadd.f32 v48, v5  }
0x32e: {  	v53 =	vld [tilespmem:s4+$0xCB80];
	v1 =	vadd.f32 v1, v3  }
0x32f: {  	v54 =	vld [tilespmem:s3+$0xCF80];
	v5 =	vadd.f32 v49, v5  }
0x330: {  	v55 =	vld [tilespmem:s4+$0xCF80];
	v1 =	vadd.f32 v50, v1  }
0x331: {  	v56 =	vld [tilespmem:s3+$0xD380];
	v4 =	vadd.f32 v51, v5  }
0x332: {  	v57 =	vld [tilespmem:s4+$0xD380];
	v1 =	vadd.f32 v52, v1  }
0x333: {  	v58 =	vld [tilespmem:s3+$0xD780];
	v3 =	vadd.f32 v53, v4  }
0x334: {  	v59 =	vld [tilespmem:s4+$0xD780];
	v1 =	vadd.f32 v54, v1  }
0x335: {  	v60 =	vld [tilespmem:s3+$0xDB80];
	v3 =	vadd.f32 v55, v3  }
0x336: {  	v61 =	vld [tilespmem:s4+$0xDB80];
	v1 =	vadd.f32 v56, v1  }
0x337: {  	v3 =	vadd.f32 v57, v3  }
0x338: {  	v1 =	vadd.f32 v58, v1  }
0x339: {  	v0 =	vadd.f32 v0, v2;
	v62 =	vadd.f32 v59, v3  }
0x33a: {  	v1 =	vadd.f32 v60, v1  }
0x33b: {  	[tilespmem:s2+$0xDF80] =	vst v0;
	v63 =	vadd.f32 v61, v62  }
0x33c: {  	[tilespmem:s3+$0xDF80] =	vst v1  }
0x33d: {  	s29 =	simm.s32 $0x0;
	s30 =	simm.s32 $0xDC00;
	s31 =	simm.s32 $0x3;
	[tilespmem:s4+$0xDF80] =	vst v63  }
0x33e: {  	[hbm4b:s1+s29] =	stream.linear.scatter [tilespmem:s30], [sflag:$0x3], $0x400, $0x38;
	[tilespmem:$0xE000] =	vst v63  }
0x33f: {  	_ =	swait.ge [sflag:s31], $0x400  }
0x340: {  	[sflag:s31] =	ssyncset.done $0x0  }
0x341: {  	[sflag:s31] =	ssyncadd.s32 $0xFFFFFC00  }
0x342: {  	_ =	sfence.sel $0x180000  }
0x343: {  	[bflag:$0x0] =	sbarrier.arrive $0xFFFF  }
0x344: {  	_ =	strace $0x90000047  }
0x345: {  	s0 =	sadd.s32 @!p0 $0x100000, s0;
	[bflag:$0x2] =	sbarrier.arrive $0xFFFF  }
0x346: {  	[sflag:s0] =	ssyncadd.tile.s32 @!p0 $0x1;
	_ =	shalt  }
.Lfunc_end2:
_tile_overlayer_lowered:
.L_overlay_start_2:
0x347: {  	(tag) =	ssettag $0x2  }
0x348: {  	s0 =	rddreg [dreg:$0x0];
	s2 =	stileid.u32  }
0x349: {  	s1 =	rddreg [dreg:$0x1];
	p0 =	sne.s32 s2, $0x0  }
0x34a: {  	s3 =	rddreg [dreg:$0x2];
	[bflag:$0x3] =	sbarrier.arrive $0xFFFF;
	s2 =	simm.s32 @!p0 $0x1C03  }
0x34b: {  	[timem:s3], [sflag:s2] =	dma.local @!p0 [hbm:s0], s1  }
0x34c: {  	s0 =	simm.s32 @!p0 $0x3  }
0x34d: {  	_ =	swait.ge @!p0 [sflag:s0], s1  }
0x34e: {  	s1 =	ssub.s32 @!p0 $0x0, s1;
	[sflag:s0] =	ssyncset.done @!p0 $0x0  }
0x34f: {  	[sflag:s0] =	ssyncadd.s32 @!p0 s1  }
0x350: {  	[bflag:$0x3] =	sbarrier.arrive $0xFFFF  }
0x351: {  	_ =	shalt  }

</sc_bundles>
